<compile_context>
chip_gen: v7x
topology: tpu7x:2x2x1
jax: 0.10.2.dev20260603
libtpu: 0.0.44.dev20260713+nightly
codegen_flags: <defaults>
</compile_context>

<pallas_src>
import functools

import jax
import jax.numpy as jnp
from jax import lax
from jax.experimental import pallas as pl
from jax.experimental.pallas import tpu as pltpu
from jax.experimental.pallas import tpu_sc as plsc

D_EMB = 64
D_MODEL = 768
EPS = 1e-5

_NC = 2
_NS = 16
_NW = _NC * _NS
_CHUNK = 32


def _make_sc_gather(num_rows):
    rows_per_w = num_rows // _NW
    n_chunks = rows_per_w // _CHUNK
    mesh = plsc.VectorSubcoreMesh(core_axis_name="c", subcore_axis_name="s")

    @functools.partial(
        pl.kernel,
        mesh=mesh,
        compiler_params=pltpu.CompilerParams(use_tc_tiling_on_sc=False),
        out_type=jax.ShapeDtypeStruct((num_rows, 2 * D_EMB), jnp.float32),
        scratch_types=[
            pltpu.VMEM((rows_per_w // _CHUNK, _CHUNK), jnp.int32),
            pltpu.VMEM((rows_per_w // _CHUNK, _CHUNK, 2 * D_EMB), jnp.float32),
        ]
        + [pltpu.SemaphoreType.DMA] * (rows_per_w // _CHUNK),
    )
    def gather_kernel(idxp_hbm, table2_hbm, out_hbm, idx_v, pair_v, *sems):
        wid = lax.axis_index("s") * _NC + lax.axis_index("c")
        base = wid * rows_per_w
        for k in range(n_chunks):
            pltpu.sync_copy(
                idxp_hbm.at[pl.ds(base + k * _CHUNK, _CHUNK)], idx_v.at[k]
            )

        def gather(k):
            return pltpu.make_async_copy(
                table2_hbm.at[idx_v.at[k]],
                pair_v.at[k],
                sems[k],
            )

        for k in range(n_chunks):
            gather(k).start()
        for k in range(n_chunks):
            gather(k).wait()
            pltpu.sync_copy(
                pair_v.at[k], out_hbm.at[pl.ds(base + k * _CHUNK, _CHUNK)]
            )

    return gather_kernel


def _dense_body(pair_ref, par_ref, pe_ref, wt_ref, b_ref, lnw_ref, lnb_ref, o_ref):
    pair = pair_ref[...]
    par = par_ref[...]
    x = jnp.where(par == 0, pair[:, :D_EMB], pair[:, D_EMB:])
    x = x + pe_ref[...]
    y = jnp.dot(x, wt_ref[...], preferred_element_type=jnp.float32)
    y = y + b_ref[...]
    mu = jnp.mean(y, axis=-1, keepdims=True)
    yc = y - mu
    var = jnp.mean(yc * yc, axis=-1, keepdims=True)
    o_ref[...] = yc * lax.rsqrt(var + EPS) * lnw_ref[...] + lnb_ref[...]


def _dense_call(pair, par, pe, wt, b, lnw, lnb, blk, seq_len):
    n_rows = pair.shape[0]
    grid = (n_rows // blk,)
    pe_blocks = seq_len // blk
    return pl.pallas_call(
        _dense_body,
        grid=grid,
        in_specs=[
            pl.BlockSpec((blk, 2 * D_EMB), lambda i: (i, 0)),
            pl.BlockSpec((blk, 1), lambda i: (i, 0)),
            pl.BlockSpec((blk, D_EMB), lambda i, pb=pe_blocks: (i % pb, 0)),
            pl.BlockSpec((D_EMB, D_MODEL), lambda i: (0, 0)),
            pl.BlockSpec((1, D_MODEL), lambda i: (0, 0)),
            pl.BlockSpec((1, D_MODEL), lambda i: (0, 0)),
            pl.BlockSpec((1, D_MODEL), lambda i: (0, 0)),
        ],
        out_specs=pl.BlockSpec((blk, D_MODEL), lambda i: (i, 0)),
        out_shape=jax.ShapeDtypeStruct((n_rows, D_MODEL), jnp.float32),
    )(pair, par, pe, wt, b, lnw, lnb)


@jax.jit
def kernel(sequence, token_table, pe, W, b, ln_w, ln_b):
    bsz, seq_len = sequence.shape
    n_rows = bsz * seq_len
    idx = sequence.reshape(n_rows).astype(jnp.int32)
    idxp = idx >> 1
    par = (idx & 1).reshape(n_rows, 1)
    table2 = token_table.reshape(token_table.shape[0] // 2, 2 * D_EMB)

    pair = _make_sc_gather(n_rows)(idxp, table2)

    out = _dense_call(
        pair,
        par,
        pe[:seq_len],
        W.T,
        b.reshape(1, D_MODEL),
        ln_w.reshape(1, D_MODEL),
        ln_b.reshape(1, D_MODEL),
        blk=512,
        seq_len=seq_len,
    )
    return out.reshape(bsz, seq_len, D_MODEL)

# --- scband reference (transcript-rebuilt; emitter-appended) ---
"""Pipeline reference for scband-total-embedding-35270271434850 (READ-ONLY COPY).

The authoritative reference and input builder live on the scoring server;
editing this copy changes nothing except your own understanding.
"""

import jax, jax.numpy as jnp
import numpy as np

VOCAB = 1000000
D_EMB = 64
D_MODEL = 768
MAX_LEN = 2048
B = 4
L = 2048
EPS = 1e-5


def _make_pe(max_len, d):
    pos = np.arange(max_len, dtype=np.float32)[:, None]
    div = np.exp(np.arange(0, d, 2, dtype=np.float32) * -(np.log(10000.0) / d))
    pe = np.zeros((max_len, d), dtype=np.float32)
    pe[:, 0::2] = np.sin(pos * div)
    pe[:, 1::2] = np.cos(pos * div)
    return jnp.asarray(pe)


def setup_inputs(seed: int = 0):
    key = jax.random.key(seed)
    k1, k2, k3 = jax.random.split(key, 3)
    sequence = jax.random.randint(k1, (B, L), 0, VOCAB)
    token_table = jax.random.normal(k2, (VOCAB, D_EMB), dtype=jnp.float32)
    token_table = token_table.at[0].set(0.0)  # pad_idx=0 row is zeros
    pe = _make_pe(MAX_LEN, D_EMB)
    W = jax.random.normal(k3, (D_MODEL, D_EMB), dtype=jnp.float32) * (1.0 / np.sqrt(D_EMB))
    b = jnp.zeros((D_MODEL,), dtype=jnp.float32)
    ln_w = jnp.ones((D_MODEL,), dtype=jnp.float32)
    ln_b = jnp.zeros((D_MODEL,), dtype=jnp.float32)
    return {"sequence": sequence, "token_table": token_table, "pe": pe, "W": W, "b": b, "ln_w": ln_w, "ln_b": ln_b}


def reference(sequence, token_table, pe, W, b, ln_w, ln_b):
    # TokenEmbedding: gather from the embedding table (SparseCore gather)
    tok = jnp.take(token_table, sequence, axis=0)  # [B, L, D_EMB]
    # PositionalEmbedding: fixed sinusoidal buffer, sliced to seq_len
    x = tok + pe[: sequence.shape[1]][None, :, :]
    # dropout is identity in eval mode
    # linear projection d_embedding -> d_model
    y = jnp.einsum("bld,md->blm", x, W) + b
    # LayerNorm over d_model
    mu = jnp.mean(y, axis=-1, keepdims=True)
    var = jnp.var(y, axis=-1, keepdims=True)
    norm = (y - mu) / jnp.sqrt(var + EPS)
    return norm * ln_w + ln_b

if __name__ == "__main__":
    import jax
    _d = setup_inputs()
    print(jax.jit(kernel)(*tuple(_d.values())))

</pallas_src>

<mosaic_0001>
#map = affine_map<(d0, d1) -> (0)>
#map1 = affine_map<(d0, d1) -> (0, 0)>
module attributes {stable_mosaic.version = 14 : i64} {
  func.func @gather_kernel(%arg0: i32, %arg1: i32, %arg2: memref<8192xi32, #tpu.memory_space<hbm>>, %arg3: memref<500000x128xf32, #tpu.memory_space<hbm>>, %arg4: memref<8192x128xf32, #tpu.memory_space<hbm>>, %arg5: memref<8x32xi32, #tpu.memory_space<vmem>>, %arg6: memref<8x32x128xf32, #tpu.memory_space<vmem>>, %arg7: memref<!tpu.dma_semaphore, #tpu.memory_space<semaphore_mem>>, %arg8: memref<!tpu.dma_semaphore, #tpu.memory_space<semaphore_mem>>, %arg9: memref<!tpu.dma_semaphore, #tpu.memory_space<semaphore_mem>>, %arg10: memref<!tpu.dma_semaphore, #tpu.memory_space<semaphore_mem>>, %arg11: memref<!tpu.dma_semaphore, #tpu.memory_space<semaphore_mem>>, %arg12: memref<!tpu.dma_semaphore, #tpu.memory_space<semaphore_mem>>, %arg13: memref<!tpu.dma_semaphore, #tpu.memory_space<semaphore_mem>>, %arg14: memref<!tpu.dma_semaphore, #tpu.memory_space<semaphore_mem>>) attributes {dimension_semantics = [#tpu.dimension_semantics<core_parallel>, #tpu.dimension_semantics<subcore_parallel>], iteration_bounds = array<i64: 2, 16>, scalar_prefetch = 0 : i64, scratch_operands = 10 : i64, tpu.core_type = #tpu.core_type<sc_vector_subcore>, window_params = [{transform_indices = #map}, {transform_indices = #map1}, {transform_indices = #map1}]} {
    %mul3A = arith.constant 2 : i32
    %mul3A_0 = arith.muli %arg1, %mul3A : i32
    %add3A = arith.addi %mul3A_0, %arg0 : i32
    %mul3A_1 = arith.constant 256 : i32
    %mul3A_2 = arith.muli %add3A, %mul3A_1 : i32
    %add3A_3 = arith.constant 0 : i32
    %add3A_4 = arith.addi %mul3A_2, %add3A_3 : i32
    %run_scoped3A = arith.constant 0 : i32
    "tpu.region"() ({
      %run_scoped3A_240 = tpu.sem_alloc : memref<!tpu.dma_semaphore, #tpu.memory_space<semaphore_mem>>
      %dma_start3A_241 = arith.constant 0 : i32
      %dma_start3A_242 = tpu.memref_slice %arg5[%run_scoped3A, %dma_start3A_241] : memref<8x32xi32, #tpu.memory_space<vmem>> -> memref<1x32xi32, #tpu.memory_space<vmem>>
      %dma_start3A_243 = tpu.memref_squeeze %dma_start3A_242 : memref<1x32xi32, #tpu.memory_space<vmem>> -> memref<32xi32, #tpu.memory_space<vmem>>
      %dma_start3A_244 = tpu.memref_slice %arg2[%add3A_4] : memref<8192xi32, #tpu.memory_space<hbm>> -> memref<32xi32, #tpu.memory_space<hbm>>
      %dma_start3A_245 = arith.constant 0 : i32
      %dma_start3A_246 = tpu.memref_slice %arg5[%run_scoped3A, %dma_start3A_245] : memref<8x32xi32, #tpu.memory_space<vmem>> -> memref<1x32xi32, #tpu.memory_space<vmem>>
      %dma_start3A_247 = tpu.memref_squeeze %dma_start3A_246 : memref<1x32xi32, #tpu.memory_space<vmem>> -> memref<32xi32, #tpu.memory_space<vmem>>
      %dma_start3A_248 = tpu.memref_slice %arg2[%add3A_4] : memref<8192xi32, #tpu.memory_space<hbm>> -> memref<32xi32, #tpu.memory_space<hbm>>
      tpu.enqueue_dma source(%dma_start3A_248 : memref<32xi32, #tpu.memory_space<hbm>>) target(%dma_start3A_247 : memref<32xi32, #tpu.memory_space<vmem>>) target_semaphore(%run_scoped3A_240 : memref<!tpu.dma_semaphore, #tpu.memory_space<semaphore_mem>>)
      %dma_wait3A_249 = arith.constant 0 : i32
      %dma_wait3A_250 = tpu.memref_slice %arg5[%run_scoped3A, %dma_wait3A_249] : memref<8x32xi32, #tpu.memory_space<vmem>> -> memref<1x32xi32, #tpu.memory_space<vmem>>
      %dma_wait3A_251 = tpu.memref_squeeze %dma_wait3A_250 : memref<1x32xi32, #tpu.memory_space<vmem>> -> memref<32xi32, #tpu.memory_space<vmem>>
      %dma_wait3A_252 = tpu.memref_slice %arg2[%add3A_4] : memref<8192xi32, #tpu.memory_space<hbm>> -> memref<32xi32, #tpu.memory_space<hbm>>
      %dma_wait3A_253 = arith.constant 0 : i32
      %dma_wait3A_254 = tpu.memref_slice %arg5[%run_scoped3A, %dma_wait3A_253] : memref<8x32xi32, #tpu.memory_space<vmem>> -> memref<1x32xi32, #tpu.memory_space<vmem>>
      %dma_wait3A_255 = tpu.memref_squeeze %dma_wait3A_254 : memref<1x32xi32, #tpu.memory_space<vmem>> -> memref<32xi32, #tpu.memory_space<vmem>>
      %dma_wait3A_256 = tpu.memref_slice %arg2[%add3A_4] : memref<8192xi32, #tpu.memory_space<hbm>> -> memref<32xi32, #tpu.memory_space<hbm>>
      tpu.wait_dma2 semaphore(%run_scoped3A_240 : memref<!tpu.dma_semaphore, #tpu.memory_space<semaphore_mem>>) src(%dma_wait3A_256 : memref<32xi32, #tpu.memory_space<hbm>>) dst(%dma_wait3A_255 : memref<32xi32, #tpu.memory_space<vmem>>)
      tpu.yield
    }) : () -> ()
    %add3A_5 = arith.constant 32 : i32
    %add3A_6 = arith.addi %mul3A_2, %add3A_5 : i32
    %run_scoped3A_7 = arith.constant 1 : i32
    "tpu.region"() ({
      %run_scoped3A_240 = tpu.sem_alloc : memref<!tpu.dma_semaphore, #tpu.memory_space<semaphore_mem>>
      %dma_start3A_241 = arith.constant 0 : i32
      %dma_start3A_242 = tpu.memref_slice %arg5[%run_scoped3A_7, %dma_start3A_241] : memref<8x32xi32, #tpu.memory_space<vmem>> -> memref<1x32xi32, #tpu.memory_space<vmem>>
      %dma_start3A_243 = tpu.memref_squeeze %dma_start3A_242 : memref<1x32xi32, #tpu.memory_space<vmem>> -> memref<32xi32, #tpu.memory_space<vmem>>
      %dma_start3A_244 = tpu.memref_slice %arg2[%add3A_6] : memref<8192xi32, #tpu.memory_space<hbm>> -> memref<32xi32, #tpu.memory_space<hbm>>
      %dma_start3A_245 = arith.constant 0 : i32
      %dma_start3A_246 = tpu.memref_slice %arg5[%run_scoped3A_7, %dma_start3A_245] : memref<8x32xi32, #tpu.memory_space<vmem>> -> memref<1x32xi32, #tpu.memory_space<vmem>>
      %dma_start3A_247 = tpu.memref_squeeze %dma_start3A_246 : memref<1x32xi32, #tpu.memory_space<vmem>> -> memref<32xi32, #tpu.memory_space<vmem>>
      %dma_start3A_248 = tpu.memref_slice %arg2[%add3A_6] : memref<8192xi32, #tpu.memory_space<hbm>> -> memref<32xi32, #tpu.memory_space<hbm>>
      tpu.enqueue_dma source(%dma_start3A_248 : memref<32xi32, #tpu.memory_space<hbm>>) target(%dma_start3A_247 : memref<32xi32, #tpu.memory_space<vmem>>) target_semaphore(%run_scoped3A_240 : memref<!tpu.dma_semaphore, #tpu.memory_space<semaphore_mem>>)
      %dma_wait3A_249 = arith.constant 0 : i32
      %dma_wait3A_250 = tpu.memref_slice %arg5[%run_scoped3A_7, %dma_wait3A_249] : memref<8x32xi32, #tpu.memory_space<vmem>> -> memref<1x32xi32, #tpu.memory_space<vmem>>
      %dma_wait3A_251 = tpu.memref_squeeze %dma_wait3A_250 : memref<1x32xi32, #tpu.memory_space<vmem>> -> memref<32xi32, #tpu.memory_space<vmem>>
      %dma_wait3A_252 = tpu.memref_slice %arg2[%add3A_6] : memref<8192xi32, #tpu.memory_space<hbm>> -> memref<32xi32, #tpu.memory_space<hbm>>
      %dma_wait3A_253 = arith.constant 0 : i32
      %dma_wait3A_254 = tpu.memref_slice %arg5[%run_scoped3A_7, %dma_wait3A_253] : memref<8x32xi32, #tpu.memory_space<vmem>> -> memref<1x32xi32, #tpu.memory_space<vmem>>
      %dma_wait3A_255 = tpu.memref_squeeze %dma_wait3A_254 : memref<1x32xi32, #tpu.memory_space<vmem>> -> memref<32xi32, #tpu.memory_space<vmem>>
      %dma_wait3A_256 = tpu.memref_slice %arg2[%add3A_6] : memref<8192xi32, #tpu.memory_space<hbm>> -> memref<32xi32, #tpu.memory_space<hbm>>
      tpu.wait_dma2 semaphore(%run_scoped3A_240 : memref<!tpu.dma_semaphore, #tpu.memory_space<semaphore_mem>>) src(%dma_wait3A_256 : memref<32xi32, #tpu.memory_space<hbm>>) dst(%dma_wait3A_255 : memref<32xi32, #tpu.memory_space<vmem>>)
      tpu.yield
    }) : () -> ()
    %add3A_8 = arith.constant 64 : i32
    %add3A_9 = arith.addi %mul3A_2, %add3A_8 : i32
    %run_scoped3A_10 = arith.constant 2 : i32
    "tpu.region"() ({
      %run_scoped3A_240 = tpu.sem_alloc : memref<!tpu.dma_semaphore, #tpu.memory_space<semaphore_mem>>
      %dma_start3A_241 = arith.constant 0 : i32
      %dma_start3A_242 = tpu.memref_slice %arg5[%run_scoped3A_10, %dma_start3A_241] : memref<8x32xi32, #tpu.memory_space<vmem>> -> memref<1x32xi32, #tpu.memory_space<vmem>>
      %dma_start3A_243 = tpu.memref_squeeze %dma_start3A_242 : memref<1x32xi32, #tpu.memory_space<vmem>> -> memref<32xi32, #tpu.memory_space<vmem>>
      %dma_start3A_244 = tpu.memref_slice %arg2[%add3A_9] : memref<8192xi32, #tpu.memory_space<hbm>> -> memref<32xi32, #tpu.memory_space<hbm>>
      %dma_start3A_245 = arith.constant 0 : i32
      %dma_start3A_246 = tpu.memref_slice %arg5[%run_scoped3A_10, %dma_start3A_245] : memref<8x32xi32, #tpu.memory_space<vmem>> -> memref<1x32xi32, #tpu.memory_space<vmem>>
      %dma_start3A_247 = tpu.memref_squeeze %dma_start3A_246 : memref<1x32xi32, #tpu.memory_space<vmem>> -> memref<32xi32, #tpu.memory_space<vmem>>
      %dma_start3A_248 = tpu.memref_slice %arg2[%add3A_9] : memref<8192xi32, #tpu.memory_space<hbm>> -> memref<32xi32, #tpu.memory_space<hbm>>
      tpu.enqueue_dma source(%dma_start3A_248 : memref<32xi32, #tpu.memory_space<hbm>>) target(%dma_start3A_247 : memref<32xi32, #tpu.memory_space<vmem>>) target_semaphore(%run_scoped3A_240 : memref<!tpu.dma_semaphore, #tpu.memory_space<semaphore_mem>>)
      %dma_wait3A_249 = arith.constant 0 : i32
      %dma_wait3A_250 = tpu.memref_slice %arg5[%run_scoped3A_10, %dma_wait3A_249] : memref<8x32xi32, #tpu.memory_space<vmem>> -> memref<1x32xi32, #tpu.memory_space<vmem>>
      %dma_wait3A_251 = tpu.memref_squeeze %dma_wait3A_250 : memref<1x32xi32, #tpu.memory_space<vmem>> -> memref<32xi32, #tpu.memory_space<vmem>>
      %dma_wait3A_252 = tpu.memref_slice %arg2[%add3A_9] : memref<8192xi32, #tpu.memory_space<hbm>> -> memref<32xi32, #tpu.memory_space<hbm>>
      %dma_wait3A_253 = arith.constant 0 : i32
      %dma_wait3A_254 = tpu.memref_slice %arg5[%run_scoped3A_10, %dma_wait3A_253] : memref<8x32xi32, #tpu.memory_space<vmem>> -> memref<1x32xi32, #tpu.memory_space<vmem>>
      %dma_wait3A_255 = tpu.memref_squeeze %dma_wait3A_254 : memref<1x32xi32, #tpu.memory_space<vmem>> -> memref<32xi32, #tpu.memory_space<vmem>>
      %dma_wait3A_256 = tpu.memref_slice %arg2[%add3A_9] : memref<8192xi32, #tpu.memory_space<hbm>> -> memref<32xi32, #tpu.memory_space<hbm>>
      tpu.wait_dma2 semaphore(%run_scoped3A_240 : memref<!tpu.dma_semaphore, #tpu.memory_space<semaphore_mem>>) src(%dma_wait3A_256 : memref<32xi32, #tpu.memory_space<hbm>>) dst(%dma_wait3A_255 : memref<32xi32, #tpu.memory_space<vmem>>)
      tpu.yield
    }) : () -> ()
    %add3A_11 = arith.constant 96 : i32
    %add3A_12 = arith.addi %mul3A_2, %add3A_11 : i32
    %run_scoped3A_13 = arith.constant 3 : i32
    "tpu.region"() ({
      %run_scoped3A_240 = tpu.sem_alloc : memref<!tpu.dma_semaphore, #tpu.memory_space<semaphore_mem>>
      %dma_start3A_241 = arith.constant 0 : i32
      %dma_start3A_242 = tpu.memref_slice %arg5[%run_scoped3A_13, %dma_start3A_241] : memref<8x32xi32, #tpu.memory_space<vmem>> -> memref<1x32xi32, #tpu.memory_space<vmem>>
      %dma_start3A_243 = tpu.memref_squeeze %dma_start3A_242 : memref<1x32xi32, #tpu.memory_space<vmem>> -> memref<32xi32, #tpu.memory_space<vmem>>
      %dma_start3A_244 = tpu.memref_slice %arg2[%add3A_12] : memref<8192xi32, #tpu.memory_space<hbm>> -> memref<32xi32, #tpu.memory_space<hbm>>
      %dma_start3A_245 = arith.constant 0 : i32
      %dma_start3A_246 = tpu.memref_slice %arg5[%run_scoped3A_13, %dma_start3A_245] : memref<8x32xi32, #tpu.memory_space<vmem>> -> memref<1x32xi32, #tpu.memory_space<vmem>>
      %dma_start3A_247 = tpu.memref_squeeze %dma_start3A_246 : memref<1x32xi32, #tpu.memory_space<vmem>> -> memref<32xi32, #tpu.memory_space<vmem>>
      %dma_start3A_248 = tpu.memref_slice %arg2[%add3A_12] : memref<8192xi32, #tpu.memory_space<hbm>> -> memref<32xi32, #tpu.memory_space<hbm>>
      tpu.enqueue_dma source(%dma_start3A_248 : memref<32xi32, #tpu.memory_space<hbm>>) target(%dma_start3A_247 : memref<32xi32, #tpu.memory_space<vmem>>) target_semaphore(%run_scoped3A_240 : memref<!tpu.dma_semaphore, #tpu.memory_space<semaphore_mem>>)
      %dma_wait3A_249 = arith.constant 0 : i32
      %dma_wait3A_250 = tpu.memref_slice %arg5[%run_scoped3A_13, %dma_wait3A_249] : memref<8x32xi32, #tpu.memory_space<vmem>> -> memref<1x32xi32, #tpu.memory_space<vmem>>
      %dma_wait3A_251 = tpu.memref_squeeze %dma_wait3A_250 : memref<1x32xi32, #tpu.memory_space<vmem>> -> memref<32xi32, #tpu.memory_space<vmem>>
      %dma_wait3A_252 = tpu.memref_slice %arg2[%add3A_12] : memref<8192xi32, #tpu.memory_space<hbm>> -> memref<32xi32, #tpu.memory_space<hbm>>
      %dma_wait3A_253 = arith.constant 0 : i32
      %dma_wait3A_254 = tpu.memref_slice %arg5[%run_scoped3A_13, %dma_wait3A_253] : memref<8x32xi32, #tpu.memory_space<vmem>> -> memref<1x32xi32, #tpu.memory_space<vmem>>
      %dma_wait3A_255 = tpu.memref_squeeze %dma_wait3A_254 : memref<1x32xi32, #tpu.memory_space<vmem>> -> memref<32xi32, #tpu.memory_space<vmem>>
      %dma_wait3A_256 = tpu.memref_slice %arg2[%add3A_12] : memref<8192xi32, #tpu.memory_space<hbm>> -> memref<32xi32, #tpu.memory_space<hbm>>
      tpu.wait_dma2 semaphore(%run_scoped3A_240 : memref<!tpu.dma_semaphore, #tpu.memory_space<semaphore_mem>>) src(%dma_wait3A_256 : memref<32xi32, #tpu.memory_space<hbm>>) dst(%dma_wait3A_255 : memref<32xi32, #tpu.memory_space<vmem>>)
      tpu.yield
    }) : () -> ()
    %add3A_14 = arith.constant 128 : i32
    %add3A_15 = arith.addi %mul3A_2, %add3A_14 : i32
    %run_scoped3A_16 = arith.constant 4 : i32
    "tpu.region"() ({
      %run_scoped3A_240 = tpu.sem_alloc : memref<!tpu.dma_semaphore, #tpu.memory_space<semaphore_mem>>
      %dma_start3A_241 = arith.constant 0 : i32
      %dma_start3A_242 = tpu.memref_slice %arg5[%run_scoped3A_16, %dma_start3A_241] : memref<8x32xi32, #tpu.memory_space<vmem>> -> memref<1x32xi32, #tpu.memory_space<vmem>>
      %dma_start3A_243 = tpu.memref_squeeze %dma_start3A_242 : memref<1x32xi32, #tpu.memory_space<vmem>> -> memref<32xi32, #tpu.memory_space<vmem>>
      %dma_start3A_244 = tpu.memref_slice %arg2[%add3A_15] : memref<8192xi32, #tpu.memory_space<hbm>> -> memref<32xi32, #tpu.memory_space<hbm>>
      %dma_start3A_245 = arith.constant 0 : i32
      %dma_start3A_246 = tpu.memref_slice %arg5[%run_scoped3A_16, %dma_start3A_245] : memref<8x32xi32, #tpu.memory_space<vmem>> -> memref<1x32xi32, #tpu.memory_space<vmem>>
      %dma_start3A_247 = tpu.memref_squeeze %dma_start3A_246 : memref<1x32xi32, #tpu.memory_space<vmem>> -> memref<32xi32, #tpu.memory_space<vmem>>
      %dma_start3A_248 = tpu.memref_slice %arg2[%add3A_15] : memref<8192xi32, #tpu.memory_space<hbm>> -> memref<32xi32, #tpu.memory_space<hbm>>
      tpu.enqueue_dma source(%dma_start3A_248 : memref<32xi32, #tpu.memory_space<hbm>>) target(%dma_start3A_247 : memref<32xi32, #tpu.memory_space<vmem>>) target_semaphore(%run_scoped3A_240 : memref<!tpu.dma_semaphore, #tpu.memory_space<semaphore_mem>>)
      %dma_wait3A_249 = arith.constant 0 : i32
      %dma_wait3A_250 = tpu.memref_slice %arg5[%run_scoped3A_16, %dma_wait3A_249] : memref<8x32xi32, #tpu.memory_space<vmem>> -> memref<1x32xi32, #tpu.memory_space<vmem>>
      %dma_wait3A_251 = tpu.memref_squeeze %dma_wait3A_250 : memref<1x32xi32, #tpu.memory_space<vmem>> -> memref<32xi32, #tpu.memory_space<vmem>>
      %dma_wait3A_252 = tpu.memref_slice %arg2[%add3A_15] : memref<8192xi32, #tpu.memory_space<hbm>> -> memref<32xi32, #tpu.memory_space<hbm>>
      %dma_wait3A_253 = arith.constant 0 : i32
      %dma_wait3A_254 = tpu.memref_slice %arg5[%run_scoped3A_16, %dma_wait3A_253] : memref<8x32xi32, #tpu.memory_space<vmem>> -> memref<1x32xi32, #tpu.memory_space<vmem>>
      %dma_wait3A_255 = tpu.memref_squeeze %dma_wait3A_254 : memref<1x32xi32, #tpu.memory_space<vmem>> -> memref<32xi32, #tpu.memory_space<vmem>>
      %dma_wait3A_256 = tpu.memref_slice %arg2[%add3A_15] : memref<8192xi32, #tpu.memory_space<hbm>> -> memref<32xi32, #tpu.memory_space<hbm>>
      tpu.wait_dma2 semaphore(%run_scoped3A_240 : memref<!tpu.dma_semaphore, #tpu.memory_space<semaphore_mem>>) src(%dma_wait3A_256 : memref<32xi32, #tpu.memory_space<hbm>>) dst(%dma_wait3A_255 : memref<32xi32, #tpu.memory_space<vmem>>)
      tpu.yield
    }) : () -> ()
    %add3A_17 = arith.constant 160 : i32
    %add3A_18 = arith.addi %mul3A_2, %add3A_17 : i32
    %run_scoped3A_19 = arith.constant 5 : i32
    "tpu.region"() ({
      %run_scoped3A_240 = tpu.sem_alloc : memref<!tpu.dma_semaphore, #tpu.memory_space<semaphore_mem>>
      %dma_start3A_241 = arith.constant 0 : i32
      %dma_start3A_242 = tpu.memref_slice %arg5[%run_scoped3A_19, %dma_start3A_241] : memref<8x32xi32, #tpu.memory_space<vmem>> -> memref<1x32xi32, #tpu.memory_space<vmem>>
      %dma_start3A_243 = tpu.memref_squeeze %dma_start3A_242 : memref<1x32xi32, #tpu.memory_space<vmem>> -> memref<32xi32, #tpu.memory_space<vmem>>
      %dma_start3A_244 = tpu.memref_slice %arg2[%add3A_18] : memref<8192xi32, #tpu.memory_space<hbm>> -> memref<32xi32, #tpu.memory_space<hbm>>
      %dma_start3A_245 = arith.constant 0 : i32
      %dma_start3A_246 = tpu.memref_slice %arg5[%run_scoped3A_19, %dma_start3A_245] : memref<8x32xi32, #tpu.memory_space<vmem>> -> memref<1x32xi32, #tpu.memory_space<vmem>>
      %dma_start3A_247 = tpu.memref_squeeze %dma_start3A_246 : memref<1x32xi32, #tpu.memory_space<vmem>> -> memref<32xi32, #tpu.memory_space<vmem>>
      %dma_start3A_248 = tpu.memref_slice %arg2[%add3A_18] : memref<8192xi32, #tpu.memory_space<hbm>> -> memref<32xi32, #tpu.memory_space<hbm>>
      tpu.enqueue_dma source(%dma_start3A_248 : memref<32xi32, #tpu.memory_space<hbm>>) target(%dma_start3A_247 : memref<32xi32, #tpu.memory_space<vmem>>) target_semaphore(%run_scoped3A_240 : memref<!tpu.dma_semaphore, #tpu.memory_space<semaphore_mem>>)
      %dma_wait3A_249 = arith.constant 0 : i32
      %dma_wait3A_250 = tpu.memref_slice %arg5[%run_scoped3A_19, %dma_wait3A_249] : memref<8x32xi32, #tpu.memory_space<vmem>> -> memref<1x32xi32, #tpu.memory_space<vmem>>
      %dma_wait3A_251 = tpu.memref_squeeze %dma_wait3A_250 : memref<1x32xi32, #tpu.memory_space<vmem>> -> memref<32xi32, #tpu.memory_space<vmem>>
      %dma_wait3A_252 = tpu.memref_slice %arg2[%add3A_18] : memref<8192xi32, #tpu.memory_space<hbm>> -> memref<32xi32, #tpu.memory_space<hbm>>
      %dma_wait3A_253 = arith.constant 0 : i32
      %dma_wait3A_254 = tpu.memref_slice %arg5[%run_scoped3A_19, %dma_wait3A_253] : memref<8x32xi32, #tpu.memory_space<vmem>> -> memref<1x32xi32, #tpu.memory_space<vmem>>
      %dma_wait3A_255 = tpu.memref_squeeze %dma_wait3A_254 : memref<1x32xi32, #tpu.memory_space<vmem>> -> memref<32xi32, #tpu.memory_space<vmem>>
      %dma_wait3A_256 = tpu.memref_slice %arg2[%add3A_18] : memref<8192xi32, #tpu.memory_space<hbm>> -> memref<32xi32, #tpu.memory_space<hbm>>
      tpu.wait_dma2 semaphore(%run_scoped3A_240 : memref<!tpu.dma_semaphore, #tpu.memory_space<semaphore_mem>>) src(%dma_wait3A_256 : memref<32xi32, #tpu.memory_space<hbm>>) dst(%dma_wait3A_255 : memref<32xi32, #tpu.memory_space<vmem>>)
      tpu.yield
    }) : () -> ()
    %add3A_20 = arith.constant 192 : i32
    %add3A_21 = arith.addi %mul3A_2, %add3A_20 : i32
    %run_scoped3A_22 = arith.constant 6 : i32
    "tpu.region"() ({
      %run_scoped3A_240 = tpu.sem_alloc : memref<!tpu.dma_semaphore, #tpu.memory_space<semaphore_mem>>
      %dma_start3A_241 = arith.constant 0 : i32
      %dma_start3A_242 = tpu.memref_slice %arg5[%run_scoped3A_22, %dma_start3A_241] : memref<8x32xi32, #tpu.memory_space<vmem>> -> memref<1x32xi32, #tpu.memory_space<vmem>>
      %dma_start3A_243 = tpu.memref_squeeze %dma_start3A_242 : memref<1x32xi32, #tpu.memory_space<vmem>> -> memref<32xi32, #tpu.memory_space<vmem>>
      %dma_start3A_244 = tpu.memref_slice %arg2[%add3A_21] : memref<8192xi32, #tpu.memory_space<hbm>> -> memref<32xi32, #tpu.memory_space<hbm>>
      %dma_start3A_245 = arith.constant 0 : i32
      %dma_start3A_246 = tpu.memref_slice %arg5[%run_scoped3A_22, %dma_start3A_245] : memref<8x32xi32, #tpu.memory_space<vmem>> -> memref<1x32xi32, #tpu.memory_space<vmem>>
      %dma_start3A_247 = tpu.memref_squeeze %dma_start3A_246 : memref<1x32xi32, #tpu.memory_space<vmem>> -> memref<32xi32, #tpu.memory_space<vmem>>
      %dma_start3A_248 = tpu.memref_slice %arg2[%add3A_21] : memref<8192xi32, #tpu.memory_space<hbm>> -> memref<32xi32, #tpu.memory_space<hbm>>
      tpu.enqueue_dma source(%dma_start3A_248 : memref<32xi32, #tpu.memory_space<hbm>>) target(%dma_start3A_247 : memref<32xi32, #tpu.memory_space<vmem>>) target_semaphore(%run_scoped3A_240 : memref<!tpu.dma_semaphore, #tpu.memory_space<semaphore_mem>>)
      %dma_wait3A_249 = arith.constant 0 : i32
      %dma_wait3A_250 = tpu.memref_slice %arg5[%run_scoped3A_22, %dma_wait3A_249] : memref<8x32xi32, #tpu.memory_space<vmem>> -> memref<1x32xi32, #tpu.memory_space<vmem>>
      %dma_wait3A_251 = tpu.memref_squeeze %dma_wait3A_250 : memref<1x32xi32, #tpu.memory_space<vmem>> -> memref<32xi32, #tpu.memory_space<vmem>>
      %dma_wait3A_252 = tpu.memref_slice %arg2[%add3A_21] : memref<8192xi32, #tpu.memory_space<hbm>> -> memref<32xi32, #tpu.memory_space<hbm>>
      %dma_wait3A_253 = arith.constant 0 : i32
      %dma_wait3A_254 = tpu.memref_slice %arg5[%run_scoped3A_22, %dma_wait3A_253] : memref<8x32xi32, #tpu.memory_space<vmem>> -> memref<1x32xi32, #tpu.memory_space<vmem>>
      %dma_wait3A_255 = tpu.memref_squeeze %dma_wait3A_254 : memref<1x32xi32, #tpu.memory_space<vmem>> -> memref<32xi32, #tpu.memory_space<vmem>>
      %dma_wait3A_256 = tpu.memref_slice %arg2[%add3A_21] : memref<8192xi32, #tpu.memory_space<hbm>> -> memref<32xi32, #tpu.memory_space<hbm>>
      tpu.wait_dma2 semaphore(%run_scoped3A_240 : memref<!tpu.dma_semaphore, #tpu.memory_space<semaphore_mem>>) src(%dma_wait3A_256 : memref<32xi32, #tpu.memory_space<hbm>>) dst(%dma_wait3A_255 : memref<32xi32, #tpu.memory_space<vmem>>)
      tpu.yield
    }) : () -> ()
    %add3A_23 = arith.constant 224 : i32
    %add3A_24 = arith.addi %mul3A_2, %add3A_23 : i32
    %run_scoped3A_25 = arith.constant 7 : i32
    "tpu.region"() ({
      %run_scoped3A_240 = tpu.sem_alloc : memref<!tpu.dma_semaphore, #tpu.memory_space<semaphore_mem>>
      %dma_start3A_241 = arith.constant 0 : i32
      %dma_start3A_242 = tpu.memref_slice %arg5[%run_scoped3A_25, %dma_start3A_241] : memref<8x32xi32, #tpu.memory_space<vmem>> -> memref<1x32xi32, #tpu.memory_space<vmem>>
      %dma_start3A_243 = tpu.memref_squeeze %dma_start3A_242 : memref<1x32xi32, #tpu.memory_space<vmem>> -> memref<32xi32, #tpu.memory_space<vmem>>
      %dma_start3A_244 = tpu.memref_slice %arg2[%add3A_24] : memref<8192xi32, #tpu.memory_space<hbm>> -> memref<32xi32, #tpu.memory_space<hbm>>
      %dma_start3A_245 = arith.constant 0 : i32
      %dma_start3A_246 = tpu.memref_slice %arg5[%run_scoped3A_25, %dma_start3A_245] : memref<8x32xi32, #tpu.memory_space<vmem>> -> memref<1x32xi32, #tpu.memory_space<vmem>>
      %dma_start3A_247 = tpu.memref_squeeze %dma_start3A_246 : memref<1x32xi32, #tpu.memory_space<vmem>> -> memref<32xi32, #tpu.memory_space<vmem>>
      %dma_start3A_248 = tpu.memref_slice %arg2[%add3A_24] : memref<8192xi32, #tpu.memory_space<hbm>> -> memref<32xi32, #tpu.memory_space<hbm>>
      tpu.enqueue_dma source(%dma_start3A_248 : memref<32xi32, #tpu.memory_space<hbm>>) target(%dma_start3A_247 : memref<32xi32, #tpu.memory_space<vmem>>) target_semaphore(%run_scoped3A_240 : memref<!tpu.dma_semaphore, #tpu.memory_space<semaphore_mem>>)
      %dma_wait3A_249 = arith.constant 0 : i32
      %dma_wait3A_250 = tpu.memref_slice %arg5[%run_scoped3A_25, %dma_wait3A_249] : memref<8x32xi32, #tpu.memory_space<vmem>> -> memref<1x32xi32, #tpu.memory_space<vmem>>
      %dma_wait3A_251 = tpu.memref_squeeze %dma_wait3A_250 : memref<1x32xi32, #tpu.memory_space<vmem>> -> memref<32xi32, #tpu.memory_space<vmem>>
      %dma_wait3A_252 = tpu.memref_slice %arg2[%add3A_24] : memref<8192xi32, #tpu.memory_space<hbm>> -> memref<32xi32, #tpu.memory_space<hbm>>
      %dma_wait3A_253 = arith.constant 0 : i32
      %dma_wait3A_254 = tpu.memref_slice %arg5[%run_scoped3A_25, %dma_wait3A_253] : memref<8x32xi32, #tpu.memory_space<vmem>> -> memref<1x32xi32, #tpu.memory_space<vmem>>
      %dma_wait3A_255 = tpu.memref_squeeze %dma_wait3A_254 : memref<1x32xi32, #tpu.memory_space<vmem>> -> memref<32xi32, #tpu.memory_space<vmem>>
      %dma_wait3A_256 = tpu.memref_slice %arg2[%add3A_24] : memref<8192xi32, #tpu.memory_space<hbm>> -> memref<32xi32, #tpu.memory_space<hbm>>
      tpu.wait_dma2 semaphore(%run_scoped3A_240 : memref<!tpu.dma_semaphore, #tpu.memory_space<semaphore_mem>>) src(%dma_wait3A_256 : memref<32xi32, #tpu.memory_space<hbm>>) dst(%dma_wait3A_255 : memref<32xi32, #tpu.memory_space<vmem>>)
      tpu.yield
    }) : () -> ()
    %dma_start3A = arith.constant 0 : i32
    %dma_start3A_26 = arith.constant 0 : i32
    %dma_start3A_27 = arith.constant 0 : i32
    %dma_start3A_28 = arith.constant 0 : i32
    %dma_start3A_29 = tpu.memref_slice %arg6[%dma_start3A_26, %dma_start3A_27, %dma_start3A_28] : memref<8x32x128xf32, #tpu.memory_space<vmem>> -> memref<1x32x128xf32, #tpu.memory_space<vmem>>
    %dma_start3A_30 = tpu.memref_squeeze %dma_start3A_29 : memref<1x32x128xf32, #tpu.memory_space<vmem>> -> memref<32x128xf32, #tpu.memory_space<vmem>>
    %dma_start3A_31 = arith.constant 0 : i32
    %dma_start3A_32 = tpu.memref_slice %arg5[%dma_start3A, %dma_start3A_31] : memref<8x32xi32, #tpu.memory_space<vmem>> -> memref<1x32xi32, #tpu.memory_space<vmem>>
    %dma_start3A_33 = tpu.memref_squeeze %dma_start3A_32 : memref<1x32xi32, #tpu.memory_space<vmem>> -> memref<32xi32, #tpu.memory_space<vmem>>
    %dma_start3A_34 = arith.constant 0 : i32
    %dma_start3A_35 = arith.constant 0 : i32
    %dma_start3A_36 = tpu.memref_slice %arg3[%dma_start3A_34, %dma_start3A_35] : memref<500000x128xf32, #tpu.memory_space<hbm>> -> memref<500000x128xf32, #tpu.memory_space<hbm>>
    tpu.enqueue_indirect_dma source(%dma_start3A_36 : memref<500000x128xf32, #tpu.memory_space<hbm>>) target(%dma_start3A_30 : memref<32x128xf32, #tpu.memory_space<vmem>>) offsets(%dma_start3A_33 : memref<32xi32, #tpu.memory_space<vmem>>) semaphore(%arg7 : memref<!tpu.dma_semaphore, #tpu.memory_space<semaphore_mem>>)
    %dma_start3A_37 = arith.constant 1 : i32
    %dma_start3A_38 = arith.constant 1 : i32
    %dma_start3A_39 = arith.constant 0 : i32
    %dma_start3A_40 = arith.constant 0 : i32
    %dma_start3A_41 = tpu.memref_slice %arg6[%dma_start3A_38, %dma_start3A_39, %dma_start3A_40] : memref<8x32x128xf32, #tpu.memory_space<vmem>> -> memref<1x32x128xf32, #tpu.memory_space<vmem>>
    %dma_start3A_42 = tpu.memref_squeeze %dma_start3A_41 : memref<1x32x128xf32, #tpu.memory_space<vmem>> -> memref<32x128xf32, #tpu.memory_space<vmem>>
    %dma_start3A_43 = arith.constant 0 : i32
    %dma_start3A_44 = tpu.memref_slice %arg5[%dma_start3A_37, %dma_start3A_43] : memref<8x32xi32, #tpu.memory_space<vmem>> -> memref<1x32xi32, #tpu.memory_space<vmem>>
    %dma_start3A_45 = tpu.memref_squeeze %dma_start3A_44 : memref<1x32xi32, #tpu.memory_space<vmem>> -> memref<32xi32, #tpu.memory_space<vmem>>
    %dma_start3A_46 = arith.constant 0 : i32
    %dma_start3A_47 = arith.constant 0 : i32
    %dma_start3A_48 = tpu.memref_slice %arg3[%dma_start3A_46, %dma_start3A_47] : memref<500000x128xf32, #tpu.memory_space<hbm>> -> memref<500000x128xf32, #tpu.memory_space<hbm>>
    tpu.enqueue_indirect_dma source(%dma_start3A_48 : memref<500000x128xf32, #tpu.memory_space<hbm>>) target(%dma_start3A_42 : memref<32x128xf32, #tpu.memory_space<vmem>>) offsets(%dma_start3A_45 : memref<32xi32, #tpu.memory_space<vmem>>) semaphore(%arg8 : memref<!tpu.dma_semaphore, #tpu.memory_space<semaphore_mem>>)
    %dma_start3A_49 = arith.constant 2 : i32
    %dma_start3A_50 = arith.constant 2 : i32
    %dma_start3A_51 = arith.constant 0 : i32
    %dma_start3A_52 = arith.constant 0 : i32
    %dma_start3A_53 = tpu.memref_slice %arg6[%dma_start3A_50, %dma_start3A_51, %dma_start3A_52] : memref<8x32x128xf32, #tpu.memory_space<vmem>> -> memref<1x32x128xf32, #tpu.memory_space<vmem>>
    %dma_start3A_54 = tpu.memref_squeeze %dma_start3A_53 : memref<1x32x128xf32, #tpu.memory_space<vmem>> -> memref<32x128xf32, #tpu.memory_space<vmem>>
    %dma_start3A_55 = arith.constant 0 : i32
    %dma_start3A_56 = tpu.memref_slice %arg5[%dma_start3A_49, %dma_start3A_55] : memref<8x32xi32, #tpu.memory_space<vmem>> -> memref<1x32xi32, #tpu.memory_space<vmem>>
    %dma_start3A_57 = tpu.memref_squeeze %dma_start3A_56 : memref<1x32xi32, #tpu.memory_space<vmem>> -> memref<32xi32, #tpu.memory_space<vmem>>
    %dma_start3A_58 = arith.constant 0 : i32
    %dma_start3A_59 = arith.constant 0 : i32
    %dma_start3A_60 = tpu.memref_slice %arg3[%dma_start3A_58, %dma_start3A_59] : memref<500000x128xf32, #tpu.memory_space<hbm>> -> memref<500000x128xf32, #tpu.memory_space<hbm>>
    tpu.enqueue_indirect_dma source(%dma_start3A_60 : memref<500000x128xf32, #tpu.memory_space<hbm>>) target(%dma_start3A_54 : memref<32x128xf32, #tpu.memory_space<vmem>>) offsets(%dma_start3A_57 : memref<32xi32, #tpu.memory_space<vmem>>) semaphore(%arg9 : memref<!tpu.dma_semaphore, #tpu.memory_space<semaphore_mem>>)
    %dma_start3A_61 = arith.constant 3 : i32
    %dma_start3A_62 = arith.constant 3 : i32
    %dma_start3A_63 = arith.constant 0 : i32
    %dma_start3A_64 = arith.constant 0 : i32
    %dma_start3A_65 = tpu.memref_slice %arg6[%dma_start3A_62, %dma_start3A_63, %dma_start3A_64] : memref<8x32x128xf32, #tpu.memory_space<vmem>> -> memref<1x32x128xf32, #tpu.memory_space<vmem>>
    %dma_start3A_66 = tpu.memref_squeeze %dma_start3A_65 : memref<1x32x128xf32, #tpu.memory_space<vmem>> -> memref<32x128xf32, #tpu.memory_space<vmem>>
    %dma_start3A_67 = arith.constant 0 : i32
    %dma_start3A_68 = tpu.memref_slice %arg5[%dma_start3A_61, %dma_start3A_67] : memref<8x32xi32, #tpu.memory_space<vmem>> -> memref<1x32xi32, #tpu.memory_space<vmem>>
    %dma_start3A_69 = tpu.memref_squeeze %dma_start3A_68 : memref<1x32xi32, #tpu.memory_space<vmem>> -> memref<32xi32, #tpu.memory_space<vmem>>
    %dma_start3A_70 = arith.constant 0 : i32
    %dma_start3A_71 = arith.constant 0 : i32
    %dma_start3A_72 = tpu.memref_slice %arg3[%dma_start3A_70, %dma_start3A_71] : memref<500000x128xf32, #tpu.memory_space<hbm>> -> memref<500000x128xf32, #tpu.memory_space<hbm>>
    tpu.enqueue_indirect_dma source(%dma_start3A_72 : memref<500000x128xf32, #tpu.memory_space<hbm>>) target(%dma_start3A_66 : memref<32x128xf32, #tpu.memory_space<vmem>>) offsets(%dma_start3A_69 : memref<32xi32, #tpu.memory_space<vmem>>) semaphore(%arg10 : memref<!tpu.dma_semaphore, #tpu.memory_space<semaphore_mem>>)
    %dma_start3A_73 = arith.constant 4 : i32
    %dma_start3A_74 = arith.constant 4 : i32
    %dma_start3A_75 = arith.constant 0 : i32
    %dma_start3A_76 = arith.constant 0 : i32
    %dma_start3A_77 = tpu.memref_slice %arg6[%dma_start3A_74, %dma_start3A_75, %dma_start3A_76] : memref<8x32x128xf32, #tpu.memory_space<vmem>> -> memref<1x32x128xf32, #tpu.memory_space<vmem>>
    %dma_start3A_78 = tpu.memref_squeeze %dma_start3A_77 : memref<1x32x128xf32, #tpu.memory_space<vmem>> -> memref<32x128xf32, #tpu.memory_space<vmem>>
    %dma_start3A_79 = arith.constant 0 : i32
    %dma_start3A_80 = tpu.memref_slice %arg5[%dma_start3A_73, %dma_start3A_79] : memref<8x32xi32, #tpu.memory_space<vmem>> -> memref<1x32xi32, #tpu.memory_space<vmem>>
    %dma_start3A_81 = tpu.memref_squeeze %dma_start3A_80 : memref<1x32xi32, #tpu.memory_space<vmem>> -> memref<32xi32, #tpu.memory_space<vmem>>
    %dma_start3A_82 = arith.constant 0 : i32
    %dma_start3A_83 = arith.constant 0 : i32
    %dma_start3A_84 = tpu.memref_slice %arg3[%dma_start3A_82, %dma_start3A_83] : memref<500000x128xf32, #tpu.memory_space<hbm>> -> memref<500000x128xf32, #tpu.memory_space<hbm>>
    tpu.enqueue_indirect_dma source(%dma_start3A_84 : memref<500000x128xf32, #tpu.memory_space<hbm>>) target(%dma_start3A_78 : memref<32x128xf32, #tpu.memory_space<vmem>>) offsets(%dma_start3A_81 : memref<32xi32, #tpu.memory_space<vmem>>) semaphore(%arg11 : memref<!tpu.dma_semaphore, #tpu.memory_space<semaphore_mem>>)
    %dma_start3A_85 = arith.constant 5 : i32
    %dma_start3A_86 = arith.constant 5 : i32
    %dma_start3A_87 = arith.constant 0 : i32
    %dma_start3A_88 = arith.constant 0 : i32
    %dma_start3A_89 = tpu.memref_slice %arg6[%dma_start3A_86, %dma_start3A_87, %dma_start3A_88] : memref<8x32x128xf32, #tpu.memory_space<vmem>> -> memref<1x32x128xf32, #tpu.memory_space<vmem>>
    %dma_start3A_90 = tpu.memref_squeeze %dma_start3A_89 : memref<1x32x128xf32, #tpu.memory_space<vmem>> -> memref<32x128xf32, #tpu.memory_space<vmem>>
    %dma_start3A_91 = arith.constant 0 : i32
    %dma_start3A_92 = tpu.memref_slice %arg5[%dma_start3A_85, %dma_start3A_91] : memref<8x32xi32, #tpu.memory_space<vmem>> -> memref<1x32xi32, #tpu.memory_space<vmem>>
    %dma_start3A_93 = tpu.memref_squeeze %dma_start3A_92 : memref<1x32xi32, #tpu.memory_space<vmem>> -> memref<32xi32, #tpu.memory_space<vmem>>
    %dma_start3A_94 = arith.constant 0 : i32
    %dma_start3A_95 = arith.constant 0 : i32
    %dma_start3A_96 = tpu.memref_slice %arg3[%dma_start3A_94, %dma_start3A_95] : memref<500000x128xf32, #tpu.memory_space<hbm>> -> memref<500000x128xf32, #tpu.memory_space<hbm>>
    tpu.enqueue_indirect_dma source(%dma_start3A_96 : memref<500000x128xf32, #tpu.memory_space<hbm>>) target(%dma_start3A_90 : memref<32x128xf32, #tpu.memory_space<vmem>>) offsets(%dma_start3A_93 : memref<32xi32, #tpu.memory_space<vmem>>) semaphore(%arg12 : memref<!tpu.dma_semaphore, #tpu.memory_space<semaphore_mem>>)
    %dma_start3A_97 = arith.constant 6 : i32
    %dma_start3A_98 = arith.constant 6 : i32
    %dma_start3A_99 = arith.constant 0 : i32
    %dma_start3A_100 = arith.constant 0 : i32
    %dma_start3A_101 = tpu.memref_slice %arg6[%dma_start3A_98, %dma_start3A_99, %dma_start3A_100] : memref<8x32x128xf32, #tpu.memory_space<vmem>> -> memref<1x32x128xf32, #tpu.memory_space<vmem>>
    %dma_start3A_102 = tpu.memref_squeeze %dma_start3A_101 : memref<1x32x128xf32, #tpu.memory_space<vmem>> -> memref<32x128xf32, #tpu.memory_space<vmem>>
    %dma_start3A_103 = arith.constant 0 : i32
    %dma_start3A_104 = tpu.memref_slice %arg5[%dma_start3A_97, %dma_start3A_103] : memref<8x32xi32, #tpu.memory_space<vmem>> -> memref<1x32xi32, #tpu.memory_space<vmem>>
    %dma_start3A_105 = tpu.memref_squeeze %dma_start3A_104 : memref<1x32xi32, #tpu.memory_space<vmem>> -> memref<32xi32, #tpu.memory_space<vmem>>
    %dma_start3A_106 = arith.constant 0 : i32
    %dma_start3A_107 = arith.constant 0 : i32
    %dma_start3A_108 = tpu.memref_slice %arg3[%dma_start3A_106, %dma_start3A_107] : memref<500000x128xf32, #tpu.memory_space<hbm>> -> memref<500000x128xf32, #tpu.memory_space<hbm>>
    tpu.enqueue_indirect_dma source(%dma_start3A_108 : memref<500000x128xf32, #tpu.memory_space<hbm>>) target(%dma_start3A_102 : memref<32x128xf32, #tpu.memory_space<vmem>>) offsets(%dma_start3A_105 : memref<32xi32, #tpu.memory_space<vmem>>) semaphore(%arg13 : memref<!tpu.dma_semaphore, #tpu.memory_space<semaphore_mem>>)
    %dma_start3A_109 = arith.constant 7 : i32
    %dma_start3A_110 = arith.constant 7 : i32
    %dma_start3A_111 = arith.constant 0 : i32
    %dma_start3A_112 = arith.constant 0 : i32
    %dma_start3A_113 = tpu.memref_slice %arg6[%dma_start3A_110, %dma_start3A_111, %dma_start3A_112] : memref<8x32x128xf32, #tpu.memory_space<vmem>> -> memref<1x32x128xf32, #tpu.memory_space<vmem>>
    %dma_start3A_114 = tpu.memref_squeeze %dma_start3A_113 : memref<1x32x128xf32, #tpu.memory_space<vmem>> -> memref<32x128xf32, #tpu.memory_space<vmem>>
    %dma_start3A_115 = arith.constant 0 : i32
    %dma_start3A_116 = tpu.memref_slice %arg5[%dma_start3A_109, %dma_start3A_115] : memref<8x32xi32, #tpu.memory_space<vmem>> -> memref<1x32xi32, #tpu.memory_space<vmem>>
    %dma_start3A_117 = tpu.memref_squeeze %dma_start3A_116 : memref<1x32xi32, #tpu.memory_space<vmem>> -> memref<32xi32, #tpu.memory_space<vmem>>
    %dma_start3A_118 = arith.constant 0 : i32
    %dma_start3A_119 = arith.constant 0 : i32
    %dma_start3A_120 = tpu.memref_slice %arg3[%dma_start3A_118, %dma_start3A_119] : memref<500000x128xf32, #tpu.memory_space<hbm>> -> memref<500000x128xf32, #tpu.memory_space<hbm>>
    tpu.enqueue_indirect_dma source(%dma_start3A_120 : memref<500000x128xf32, #tpu.memory_space<hbm>>) target(%dma_start3A_114 : memref<32x128xf32, #tpu.memory_space<vmem>>) offsets(%dma_start3A_117 : memref<32xi32, #tpu.memory_space<vmem>>) semaphore(%arg14 : memref<!tpu.dma_semaphore, #tpu.memory_space<semaphore_mem>>)
    %dma_wait3A = arith.constant 0 : i32
    %dma_wait3A_121 = arith.constant 0 : i32
    %dma_wait3A_122 = arith.constant 0 : i32
    %dma_wait3A_123 = arith.constant 0 : i32
    %dma_wait3A_124 = tpu.memref_slice %arg6[%dma_wait3A_121, %dma_wait3A_122, %dma_wait3A_123] : memref<8x32x128xf32, #tpu.memory_space<vmem>> -> memref<1x32x128xf32, #tpu.memory_space<vmem>>
    %dma_wait3A_125 = tpu.memref_squeeze %dma_wait3A_124 : memref<1x32x128xf32, #tpu.memory_space<vmem>> -> memref<32x128xf32, #tpu.memory_space<vmem>>
    %dma_wait3A_126 = arith.constant 0 : i32
    %dma_wait3A_127 = tpu.memref_slice %arg5[%dma_wait3A, %dma_wait3A_126] : memref<8x32xi32, #tpu.memory_space<vmem>> -> memref<1x32xi32, #tpu.memory_space<vmem>>
    %dma_wait3A_128 = tpu.memref_squeeze %dma_wait3A_127 : memref<1x32xi32, #tpu.memory_space<vmem>> -> memref<32xi32, #tpu.memory_space<vmem>>
    %dma_wait3A_129 = arith.constant 0 : i32
    %dma_wait3A_130 = arith.constant 0 : i32
    %dma_wait3A_131 = tpu.memref_slice %arg3[%dma_wait3A_129, %dma_wait3A_130] : memref<500000x128xf32, #tpu.memory_space<hbm>> -> memref<500000x128xf32, #tpu.memory_space<hbm>>
    tpu.wait_indirect_dma semaphore(%arg7 : memref<!tpu.dma_semaphore, #tpu.memory_space<semaphore_mem>>) src(%dma_wait3A_131 : memref<500000x128xf32, #tpu.memory_space<hbm>>) dst(%dma_wait3A_125 : memref<32x128xf32, #tpu.memory_space<vmem>>)
    %add3A_132 = arith.constant 0 : i32
    %add3A_133 = arith.addi %mul3A_2, %add3A_132 : i32
    %run_scoped3A_134 = arith.constant 0 : i32
    "tpu.region"() ({
      %run_scoped3A_240 = tpu.sem_alloc : memref<!tpu.dma_semaphore, #tpu.memory_space<semaphore_mem>>
      %dma_start3A_241 = arith.constant 0 : i32
      %dma_start3A_242 = arith.constant 0 : i32
      %dma_start3A_243 = tpu.memref_slice %arg6[%run_scoped3A_134, %dma_start3A_241, %dma_start3A_242] : memref<8x32x128xf32, #tpu.memory_space<vmem>> -> memref<1x32x128xf32, #tpu.memory_space<vmem>>
      %dma_start3A_244 = tpu.memref_squeeze %dma_start3A_243 : memref<1x32x128xf32, #tpu.memory_space<vmem>> -> memref<32x128xf32, #tpu.memory_space<vmem>>
      %dma_start3A_245 = arith.constant 0 : i32
      %dma_start3A_246 = tpu.memref_slice %arg4[%add3A_133, %dma_start3A_245] : memref<8192x128xf32, #tpu.memory_space<hbm>> -> memref<32x128xf32, #tpu.memory_space<hbm>>
      %dma_start3A_247 = arith.constant 0 : i32
      %dma_start3A_248 = tpu.memref_slice %arg4[%add3A_133, %dma_start3A_247] : memref<8192x128xf32, #tpu.memory_space<hbm>> -> memref<32x128xf32, #tpu.memory_space<hbm>>
      %dma_start3A_249 = arith.constant 0 : i32
      %dma_start3A_250 = arith.constant 0 : i32
      %dma_start3A_251 = tpu.memref_slice %arg6[%run_scoped3A_134, %dma_start3A_249, %dma_start3A_250] : memref<8x32x128xf32, #tpu.memory_space<vmem>> -> memref<1x32x128xf32, #tpu.memory_space<vmem>>
      %dma_start3A_252 = tpu.memref_squeeze %dma_start3A_251 : memref<1x32x128xf32, #tpu.memory_space<vmem>> -> memref<32x128xf32, #tpu.memory_space<vmem>>
      tpu.enqueue_dma source(%dma_start3A_252 : memref<32x128xf32, #tpu.memory_space<vmem>>) target(%dma_start3A_248 : memref<32x128xf32, #tpu.memory_space<hbm>>) target_semaphore(%run_scoped3A_240 : memref<!tpu.dma_semaphore, #tpu.memory_space<semaphore_mem>>)
      %dma_wait3A_253 = arith.constant 0 : i32
      %dma_wait3A_254 = arith.constant 0 : i32
      %dma_wait3A_255 = tpu.memref_slice %arg6[%run_scoped3A_134, %dma_wait3A_253, %dma_wait3A_254] : memref<8x32x128xf32, #tpu.memory_space<vmem>> -> memref<1x32x128xf32, #tpu.memory_space<vmem>>
      %dma_wait3A_256 = tpu.memref_squeeze %dma_wait3A_255 : memref<1x32x128xf32, #tpu.memory_space<vmem>> -> memref<32x128xf32, #tpu.memory_space<vmem>>
      %dma_wait3A_257 = arith.constant 0 : i32
      %dma_wait3A_258 = tpu.memref_slice %arg4[%add3A_133, %dma_wait3A_257] : memref<8192x128xf32, #tpu.memory_space<hbm>> -> memref<32x128xf32, #tpu.memory_space<hbm>>
      %dma_wait3A_259 = arith.constant 0 : i32
      %dma_wait3A_260 = tpu.memref_slice %arg4[%add3A_133, %dma_wait3A_259] : memref<8192x128xf32, #tpu.memory_space<hbm>> -> memref<32x128xf32, #tpu.memory_space<hbm>>
      %dma_wait3A_261 = arith.constant 0 : i32
      %dma_wait3A_262 = arith.constant 0 : i32
      %dma_wait3A_263 = tpu.memref_slice %arg6[%run_scoped3A_134, %dma_wait3A_261, %dma_wait3A_262] : memref<8x32x128xf32, #tpu.memory_space<vmem>> -> memref<1x32x128xf32, #tpu.memory_space<vmem>>
      %dma_wait3A_264 = tpu.memref_squeeze %dma_wait3A_263 : memref<1x32x128xf32, #tpu.memory_space<vmem>> -> memref<32x128xf32, #tpu.memory_space<vmem>>
      tpu.wait_dma2 semaphore(%run_scoped3A_240 : memref<!tpu.dma_semaphore, #tpu.memory_space<semaphore_mem>>) src(%dma_wait3A_264 : memref<32x128xf32, #tpu.memory_space<vmem>>) dst(%dma_wait3A_260 : memref<32x128xf32, #tpu.memory_space<hbm>>)
      tpu.yield
    }) : () -> ()
    %dma_wait3A_135 = arith.constant 1 : i32
    %dma_wait3A_136 = arith.constant 1 : i32
    %dma_wait3A_137 = arith.constant 0 : i32
    %dma_wait3A_138 = arith.constant 0 : i32
    %dma_wait3A_139 = tpu.memref_slice %arg6[%dma_wait3A_136, %dma_wait3A_137, %dma_wait3A_138] : memref<8x32x128xf32, #tpu.memory_space<vmem>> -> memref<1x32x128xf32, #tpu.memory_space<vmem>>
    %dma_wait3A_140 = tpu.memref_squeeze %dma_wait3A_139 : memref<1x32x128xf32, #tpu.memory_space<vmem>> -> memref<32x128xf32, #tpu.memory_space<vmem>>
    %dma_wait3A_141 = arith.constant 0 : i32
    %dma_wait3A_142 = tpu.memref_slice %arg5[%dma_wait3A_135, %dma_wait3A_141] : memref<8x32xi32, #tpu.memory_space<vmem>> -> memref<1x32xi32, #tpu.memory_space<vmem>>
    %dma_wait3A_143 = tpu.memref_squeeze %dma_wait3A_142 : memref<1x32xi32, #tpu.memory_space<vmem>> -> memref<32xi32, #tpu.memory_space<vmem>>
    %dma_wait3A_144 = arith.constant 0 : i32
    %dma_wait3A_145 = arith.constant 0 : i32
    %dma_wait3A_146 = tpu.memref_slice %arg3[%dma_wait3A_144, %dma_wait3A_145] : memref<500000x128xf32, #tpu.memory_space<hbm>> -> memref<500000x128xf32, #tpu.memory_space<hbm>>
    tpu.wait_indirect_dma semaphore(%arg8 : memref<!tpu.dma_semaphore, #tpu.memory_space<semaphore_mem>>) src(%dma_wait3A_146 : memref<500000x128xf32, #tpu.memory_space<hbm>>) dst(%dma_wait3A_140 : memref<32x128xf32, #tpu.memory_space<vmem>>)
    %add3A_147 = arith.constant 32 : i32
    %add3A_148 = arith.addi %mul3A_2, %add3A_147 : i32
    %run_scoped3A_149 = arith.constant 1 : i32
    "tpu.region"() ({
      %run_scoped3A_240 = tpu.sem_alloc : memref<!tpu.dma_semaphore, #tpu.memory_space<semaphore_mem>>
      %dma_start3A_241 = arith.constant 0 : i32
      %dma_start3A_242 = arith.constant 0 : i32
      %dma_start3A_243 = tpu.memref_slice %arg6[%run_scoped3A_149, %dma_start3A_241, %dma_start3A_242] : memref<8x32x128xf32, #tpu.memory_space<vmem>> -> memref<1x32x128xf32, #tpu.memory_space<vmem>>
      %dma_start3A_244 = tpu.memref_squeeze %dma_start3A_243 : memref<1x32x128xf32, #tpu.memory_space<vmem>> -> memref<32x128xf32, #tpu.memory_space<vmem>>
      %dma_start3A_245 = arith.constant 0 : i32
      %dma_start3A_246 = tpu.memref_slice %arg4[%add3A_148, %dma_start3A_245] : memref<8192x128xf32, #tpu.memory_space<hbm>> -> memref<32x128xf32, #tpu.memory_space<hbm>>
      %dma_start3A_247 = arith.constant 0 : i32
      %dma_start3A_248 = tpu.memref_slice %arg4[%add3A_148, %dma_start3A_247] : memref<8192x128xf32, #tpu.memory_space<hbm>> -> memref<32x128xf32, #tpu.memory_space<hbm>>
      %dma_start3A_249 = arith.constant 0 : i32
      %dma_start3A_250 = arith.constant 0 : i32
      %dma_start3A_251 = tpu.memref_slice %arg6[%run_scoped3A_149, %dma_start3A_249, %dma_start3A_250] : memref<8x32x128xf32, #tpu.memory_space<vmem>> -> memref<1x32x128xf32, #tpu.memory_space<vmem>>
      %dma_start3A_252 = tpu.memref_squeeze %dma_start3A_251 : memref<1x32x128xf32, #tpu.memory_space<vmem>> -> memref<32x128xf32, #tpu.memory_space<vmem>>
      tpu.enqueue_dma source(%dma_start3A_252 : memref<32x128xf32, #tpu.memory_space<vmem>>) target(%dma_start3A_248 : memref<32x128xf32, #tpu.memory_space<hbm>>) target_semaphore(%run_scoped3A_240 : memref<!tpu.dma_semaphore, #tpu.memory_space<semaphore_mem>>)
      %dma_wait3A_253 = arith.constant 0 : i32
      %dma_wait3A_254 = arith.constant 0 : i32
      %dma_wait3A_255 = tpu.memref_slice %arg6[%run_scoped3A_149, %dma_wait3A_253, %dma_wait3A_254] : memref<8x32x128xf32, #tpu.memory_space<vmem>> -> memref<1x32x128xf32, #tpu.memory_space<vmem>>
      %dma_wait3A_256 = tpu.memref_squeeze %dma_wait3A_255 : memref<1x32x128xf32, #tpu.memory_space<vmem>> -> memref<32x128xf32, #tpu.memory_space<vmem>>
      %dma_wait3A_257 = arith.constant 0 : i32
      %dma_wait3A_258 = tpu.memref_slice %arg4[%add3A_148, %dma_wait3A_257] : memref<8192x128xf32, #tpu.memory_space<hbm>> -> memref<32x128xf32, #tpu.memory_space<hbm>>
      %dma_wait3A_259 = arith.constant 0 : i32
      %dma_wait3A_260 = tpu.memref_slice %arg4[%add3A_148, %dma_wait3A_259] : memref<8192x128xf32, #tpu.memory_space<hbm>> -> memref<32x128xf32, #tpu.memory_space<hbm>>
      %dma_wait3A_261 = arith.constant 0 : i32
      %dma_wait3A_262 = arith.constant 0 : i32
      %dma_wait3A_263 = tpu.memref_slice %arg6[%run_scoped3A_149, %dma_wait3A_261, %dma_wait3A_262] : memref<8x32x128xf32, #tpu.memory_space<vmem>> -> memref<1x32x128xf32, #tpu.memory_space<vmem>>
      %dma_wait3A_264 = tpu.memref_squeeze %dma_wait3A_263 : memref<1x32x128xf32, #tpu.memory_space<vmem>> -> memref<32x128xf32, #tpu.memory_space<vmem>>
      tpu.wait_dma2 semaphore(%run_scoped3A_240 : memref<!tpu.dma_semaphore, #tpu.memory_space<semaphore_mem>>) src(%dma_wait3A_264 : memref<32x128xf32, #tpu.memory_space<vmem>>) dst(%dma_wait3A_260 : memref<32x128xf32, #tpu.memory_space<hbm>>)
      tpu.yield
    }) : () -> ()
    %dma_wait3A_150 = arith.constant 2 : i32
    %dma_wait3A_151 = arith.constant 2 : i32
    %dma_wait3A_152 = arith.constant 0 : i32
    %dma_wait3A_153 = arith.constant 0 : i32
    %dma_wait3A_154 = tpu.memref_slice %arg6[%dma_wait3A_151, %dma_wait3A_152, %dma_wait3A_153] : memref<8x32x128xf32, #tpu.memory_space<vmem>> -> memref<1x32x128xf32, #tpu.memory_space<vmem>>
    %dma_wait3A_155 = tpu.memref_squeeze %dma_wait3A_154 : memref<1x32x128xf32, #tpu.memory_space<vmem>> -> memref<32x128xf32, #tpu.memory_space<vmem>>
    %dma_wait3A_156 = arith.constant 0 : i32
    %dma_wait3A_157 = tpu.memref_slice %arg5[%dma_wait3A_150, %dma_wait3A_156] : memref<8x32xi32, #tpu.memory_space<vmem>> -> memref<1x32xi32, #tpu.memory_space<vmem>>
    %dma_wait3A_158 = tpu.memref_squeeze %dma_wait3A_157 : memref<1x32xi32, #tpu.memory_space<vmem>> -> memref<32xi32, #tpu.memory_space<vmem>>
    %dma_wait3A_159 = arith.constant 0 : i32
    %dma_wait3A_160 = arith.constant 0 : i32
    %dma_wait3A_161 = tpu.memref_slice %arg3[%dma_wait3A_159, %dma_wait3A_160] : memref<500000x128xf32, #tpu.memory_space<hbm>> -> memref<500000x128xf32, #tpu.memory_space<hbm>>
    tpu.wait_indirect_dma semaphore(%arg9 : memref<!tpu.dma_semaphore, #tpu.memory_space<semaphore_mem>>) src(%dma_wait3A_161 : memref<500000x128xf32, #tpu.memory_space<hbm>>) dst(%dma_wait3A_155 : memref<32x128xf32, #tpu.memory_space<vmem>>)
    %add3A_162 = arith.constant 64 : i32
    %add3A_163 = arith.addi %mul3A_2, %add3A_162 : i32
    %run_scoped3A_164 = arith.constant 2 : i32
    "tpu.region"() ({
      %run_scoped3A_240 = tpu.sem_alloc : memref<!tpu.dma_semaphore, #tpu.memory_space<semaphore_mem>>
      %dma_start3A_241 = arith.constant 0 : i32
      %dma_start3A_242 = arith.constant 0 : i32
      %dma_start3A_243 = tpu.memref_slice %arg6[%run_scoped3A_164, %dma_start3A_241, %dma_start3A_242] : memref<8x32x128xf32, #tpu.memory_space<vmem>> -> memref<1x32x128xf32, #tpu.memory_space<vmem>>
      %dma_start3A_244 = tpu.memref_squeeze %dma_start3A_243 : memref<1x32x128xf32, #tpu.memory_space<vmem>> -> memref<32x128xf32, #tpu.memory_space<vmem>>
      %dma_start3A_245 = arith.constant 0 : i32
      %dma_start3A_246 = tpu.memref_slice %arg4[%add3A_163, %dma_start3A_245] : memref<8192x128xf32, #tpu.memory_space<hbm>> -> memref<32x128xf32, #tpu.memory_space<hbm>>
      %dma_start3A_247 = arith.constant 0 : i32
      %dma_start3A_248 = tpu.memref_slice %arg4[%add3A_163, %dma_start3A_247] : memref<8192x128xf32, #tpu.memory_space<hbm>> -> memref<32x128xf32, #tpu.memory_space<hbm>>
      %dma_start3A_249 = arith.constant 0 : i32
      %dma_start3A_250 = arith.constant 0 : i32
      %dma_start3A_251 = tpu.memref_slice %arg6[%run_scoped3A_164, %dma_start3A_249, %dma_start3A_250] : memref<8x32x128xf32, #tpu.memory_space<vmem>> -> memref<1x32x128xf32, #tpu.memory_space<vmem>>
      %dma_start3A_252 = tpu.memref_squeeze %dma_start3A_251 : memref<1x32x128xf32, #tpu.memory_space<vmem>> -> memref<32x128xf32, #tpu.memory_space<vmem>>
      tpu.enqueue_dma source(%dma_start3A_252 : memref<32x128xf32, #tpu.memory_space<vmem>>) target(%dma_start3A_248 : memref<32x128xf32, #tpu.memory_space<hbm>>) target_semaphore(%run_scoped3A_240 : memref<!tpu.dma_semaphore, #tpu.memory_space<semaphore_mem>>)
      %dma_wait3A_253 = arith.constant 0 : i32
      %dma_wait3A_254 = arith.constant 0 : i32
      %dma_wait3A_255 = tpu.memref_slice %arg6[%run_scoped3A_164, %dma_wait3A_253, %dma_wait3A_254] : memref<8x32x128xf32, #tpu.memory_space<vmem>> -> memref<1x32x128xf32, #tpu.memory_space<vmem>>
      %dma_wait3A_256 = tpu.memref_squeeze %dma_wait3A_255 : memref<1x32x128xf32, #tpu.memory_space<vmem>> -> memref<32x128xf32, #tpu.memory_space<vmem>>
      %dma_wait3A_257 = arith.constant 0 : i32
      %dma_wait3A_258 = tpu.memref_slice %arg4[%add3A_163, %dma_wait3A_257] : memref<8192x128xf32, #tpu.memory_space<hbm>> -> memref<32x128xf32, #tpu.memory_space<hbm>>
      %dma_wait3A_259 = arith.constant 0 : i32
      %dma_wait3A_260 = tpu.memref_slice %arg4[%add3A_163, %dma_wait3A_259] : memref<8192x128xf32, #tpu.memory_space<hbm>> -> memref<32x128xf32, #tpu.memory_space<hbm>>
      %dma_wait3A_261 = arith.constant 0 : i32
      %dma_wait3A_262 = arith.constant 0 : i32
      %dma_wait3A_263 = tpu.memref_slice %arg6[%run_scoped3A_164, %dma_wait3A_261, %dma_wait3A_262] : memref<8x32x128xf32, #tpu.memory_space<vmem>> -> memref<1x32x128xf32, #tpu.memory_space<vmem>>
      %dma_wait3A_264 = tpu.memref_squeeze %dma_wait3A_263 : memref<1x32x128xf32, #tpu.memory_space<vmem>> -> memref<32x128xf32, #tpu.memory_space<vmem>>
      tpu.wait_dma2 semaphore(%run_scoped3A_240 : memref<!tpu.dma_semaphore, #tpu.memory_space<semaphore_mem>>) src(%dma_wait3A_264 : memref<32x128xf32, #tpu.memory_space<vmem>>) dst(%dma_wait3A_260 : memref<32x128xf32, #tpu.memory_space<hbm>>)
      tpu.yield
    }) : () -> ()
    %dma_wait3A_165 = arith.constant 3 : i32
    %dma_wait3A_166 = arith.constant 3 : i32
    %dma_wait3A_167 = arith.constant 0 : i32
    %dma_wait3A_168 = arith.constant 0 : i32
    %dma_wait3A_169 = tpu.memref_slice %arg6[%dma_wait3A_166, %dma_wait3A_167, %dma_wait3A_168] : memref<8x32x128xf32, #tpu.memory_space<vmem>> -> memref<1x32x128xf32, #tpu.memory_space<vmem>>
    %dma_wait3A_170 = tpu.memref_squeeze %dma_wait3A_169 : memref<1x32x128xf32, #tpu.memory_space<vmem>> -> memref<32x128xf32, #tpu.memory_space<vmem>>
    %dma_wait3A_171 = arith.constant 0 : i32
    %dma_wait3A_172 = tpu.memref_slice %arg5[%dma_wait3A_165, %dma_wait3A_171] : memref<8x32xi32, #tpu.memory_space<vmem>> -> memref<1x32xi32, #tpu.memory_space<vmem>>
    %dma_wait3A_173 = tpu.memref_squeeze %dma_wait3A_172 : memref<1x32xi32, #tpu.memory_space<vmem>> -> memref<32xi32, #tpu.memory_space<vmem>>
    %dma_wait3A_174 = arith.constant 0 : i32
    %dma_wait3A_175 = arith.constant 0 : i32
    %dma_wait3A_176 = tpu.memref_slice %arg3[%dma_wait3A_174, %dma_wait3A_175] : memref<500000x128xf32, #tpu.memory_space<hbm>> -> memref<500000x128xf32, #tpu.memory_space<hbm>>
    tpu.wait_indirect_dma semaphore(%arg10 : memref<!tpu.dma_semaphore, #tpu.memory_space<semaphore_mem>>) src(%dma_wait3A_176 : memref<500000x128xf32, #tpu.memory_space<hbm>>) dst(%dma_wait3A_170 : memref<32x128xf32, #tpu.memory_space<vmem>>)
    %add3A_177 = arith.constant 96 : i32
    %add3A_178 = arith.addi %mul3A_2, %add3A_177 : i32
    %run_scoped3A_179 = arith.constant 3 : i32
    "tpu.region"() ({
      %run_scoped3A_240 = tpu.sem_alloc : memref<!tpu.dma_semaphore, #tpu.memory_space<semaphore_mem>>
      %dma_start3A_241 = arith.constant 0 : i32
      %dma_start3A_242 = arith.constant 0 : i32
      %dma_start3A_243 = tpu.memref_slice %arg6[%run_scoped3A_179, %dma_start3A_241, %dma_start3A_242] : memref<8x32x128xf32, #tpu.memory_space<vmem>> -> memref<1x32x128xf32, #tpu.memory_space<vmem>>
      %dma_start3A_244 = tpu.memref_squeeze %dma_start3A_243 : memref<1x32x128xf32, #tpu.memory_space<vmem>> -> memref<32x128xf32, #tpu.memory_space<vmem>>
      %dma_start3A_245 = arith.constant 0 : i32
      %dma_start3A_246 = tpu.memref_slice %arg4[%add3A_178, %dma_start3A_245] : memref<8192x128xf32, #tpu.memory_space<hbm>> -> memref<32x128xf32, #tpu.memory_space<hbm>>
      %dma_start3A_247 = arith.constant 0 : i32
      %dma_start3A_248 = tpu.memref_slice %arg4[%add3A_178, %dma_start3A_247] : memref<8192x128xf32, #tpu.memory_space<hbm>> -> memref<32x128xf32, #tpu.memory_space<hbm>>
      %dma_start3A_249 = arith.constant 0 : i32
      %dma_start3A_250 = arith.constant 0 : i32
      %dma_start3A_251 = tpu.memref_slice %arg6[%run_scoped3A_179, %dma_start3A_249, %dma_start3A_250] : memref<8x32x128xf32, #tpu.memory_space<vmem>> -> memref<1x32x128xf32, #tpu.memory_space<vmem>>
      %dma_start3A_252 = tpu.memref_squeeze %dma_start3A_251 : memref<1x32x128xf32, #tpu.memory_space<vmem>> -> memref<32x128xf32, #tpu.memory_space<vmem>>
      tpu.enqueue_dma source(%dma_start3A_252 : memref<32x128xf32, #tpu.memory_space<vmem>>) target(%dma_start3A_248 : memref<32x128xf32, #tpu.memory_space<hbm>>) target_semaphore(%run_scoped3A_240 : memref<!tpu.dma_semaphore, #tpu.memory_space<semaphore_mem>>)
      %dma_wait3A_253 = arith.constant 0 : i32
      %dma_wait3A_254 = arith.constant 0 : i32
      %dma_wait3A_255 = tpu.memref_slice %arg6[%run_scoped3A_179, %dma_wait3A_253, %dma_wait3A_254] : memref<8x32x128xf32, #tpu.memory_space<vmem>> -> memref<1x32x128xf32, #tpu.memory_space<vmem>>
      %dma_wait3A_256 = tpu.memref_squeeze %dma_wait3A_255 : memref<1x32x128xf32, #tpu.memory_space<vmem>> -> memref<32x128xf32, #tpu.memory_space<vmem>>
      %dma_wait3A_257 = arith.constant 0 : i32
      %dma_wait3A_258 = tpu.memref_slice %arg4[%add3A_178, %dma_wait3A_257] : memref<8192x128xf32, #tpu.memory_space<hbm>> -> memref<32x128xf32, #tpu.memory_space<hbm>>
      %dma_wait3A_259 = arith.constant 0 : i32
      %dma_wait3A_260 = tpu.memref_slice %arg4[%add3A_178, %dma_wait3A_259] : memref<8192x128xf32, #tpu.memory_space<hbm>> -> memref<32x128xf32, #tpu.memory_space<hbm>>
      %dma_wait3A_261 = arith.constant 0 : i32
      %dma_wait3A_262 = arith.constant 0 : i32
      %dma_wait3A_263 = tpu.memref_slice %arg6[%run_scoped3A_179, %dma_wait3A_261, %dma_wait3A_262] : memref<8x32x128xf32, #tpu.memory_space<vmem>> -> memref<1x32x128xf32, #tpu.memory_space<vmem>>
      %dma_wait3A_264 = tpu.memref_squeeze %dma_wait3A_263 : memref<1x32x128xf32, #tpu.memory_space<vmem>> -> memref<32x128xf32, #tpu.memory_space<vmem>>
      tpu.wait_dma2 semaphore(%run_scoped3A_240 : memref<!tpu.dma_semaphore, #tpu.memory_space<semaphore_mem>>) src(%dma_wait3A_264 : memref<32x128xf32, #tpu.memory_space<vmem>>) dst(%dma_wait3A_260 : memref<32x128xf32, #tpu.memory_space<hbm>>)
      tpu.yield
    }) : () -> ()
    %dma_wait3A_180 = arith.constant 4 : i32
    %dma_wait3A_181 = arith.constant 4 : i32
    %dma_wait3A_182 = arith.constant 0 : i32
    %dma_wait3A_183 = arith.constant 0 : i32
    %dma_wait3A_184 = tpu.memref_slice %arg6[%dma_wait3A_181, %dma_wait3A_182, %dma_wait3A_183] : memref<8x32x128xf32, #tpu.memory_space<vmem>> -> memref<1x32x128xf32, #tpu.memory_space<vmem>>
    %dma_wait3A_185 = tpu.memref_squeeze %dma_wait3A_184 : memref<1x32x128xf32, #tpu.memory_space<vmem>> -> memref<32x128xf32, #tpu.memory_space<vmem>>
    %dma_wait3A_186 = arith.constant 0 : i32
    %dma_wait3A_187 = tpu.memref_slice %arg5[%dma_wait3A_180, %dma_wait3A_186] : memref<8x32xi32, #tpu.memory_space<vmem>> -> memref<1x32xi32, #tpu.memory_space<vmem>>
    %dma_wait3A_188 = tpu.memref_squeeze %dma_wait3A_187 : memref<1x32xi32, #tpu.memory_space<vmem>> -> memref<32xi32, #tpu.memory_space<vmem>>
    %dma_wait3A_189 = arith.constant 0 : i32
    %dma_wait3A_190 = arith.constant 0 : i32
    %dma_wait3A_191 = tpu.memref_slice %arg3[%dma_wait3A_189, %dma_wait3A_190] : memref<500000x128xf32, #tpu.memory_space<hbm>> -> memref<500000x128xf32, #tpu.memory_space<hbm>>
    tpu.wait_indirect_dma semaphore(%arg11 : memref<!tpu.dma_semaphore, #tpu.memory_space<semaphore_mem>>) src(%dma_wait3A_191 : memref<500000x128xf32, #tpu.memory_space<hbm>>) dst(%dma_wait3A_185 : memref<32x128xf32, #tpu.memory_space<vmem>>)
    %add3A_192 = arith.constant 128 : i32
    %add3A_193 = arith.addi %mul3A_2, %add3A_192 : i32
    %run_scoped3A_194 = arith.constant 4 : i32
    "tpu.region"() ({
      %run_scoped3A_240 = tpu.sem_alloc : memref<!tpu.dma_semaphore, #tpu.memory_space<semaphore_mem>>
      %dma_start3A_241 = arith.constant 0 : i32
      %dma_start3A_242 = arith.constant 0 : i32
      %dma_start3A_243 = tpu.memref_slice %arg6[%run_scoped3A_194, %dma_start3A_241, %dma_start3A_242] : memref<8x32x128xf32, #tpu.memory_space<vmem>> -> memref<1x32x128xf32, #tpu.memory_space<vmem>>
      %dma_start3A_244 = tpu.memref_squeeze %dma_start3A_243 : memref<1x32x128xf32, #tpu.memory_space<vmem>> -> memref<32x128xf32, #tpu.memory_space<vmem>>
      %dma_start3A_245 = arith.constant 0 : i32
      %dma_start3A_246 = tpu.memref_slice %arg4[%add3A_193, %dma_start3A_245] : memref<8192x128xf32, #tpu.memory_space<hbm>> -> memref<32x128xf32, #tpu.memory_space<hbm>>
      %dma_start3A_247 = arith.constant 0 : i32
      %dma_start3A_248 = tpu.memref_slice %arg4[%add3A_193, %dma_start3A_247] : memref<8192x128xf32, #tpu.memory_space<hbm>> -> memref<32x128xf32, #tpu.memory_space<hbm>>
      %dma_start3A_249 = arith.constant 0 : i32
      %dma_start3A_250 = arith.constant 0 : i32
      %dma_start3A_251 = tpu.memref_slice %arg6[%run_scoped3A_194, %dma_start3A_249, %dma_start3A_250] : memref<8x32x128xf32, #tpu.memory_space<vmem>> -> memref<1x32x128xf32, #tpu.memory_space<vmem>>
      %dma_start3A_252 = tpu.memref_squeeze %dma_start3A_251 : memref<1x32x128xf32, #tpu.memory_space<vmem>> -> memref<32x128xf32, #tpu.memory_space<vmem>>
      tpu.enqueue_dma source(%dma_start3A_252 : memref<32x128xf32, #tpu.memory_space<vmem>>) target(%dma_start3A_248 : memref<32x128xf32, #tpu.memory_space<hbm>>) target_semaphore(%run_scoped3A_240 : memref<!tpu.dma_semaphore, #tpu.memory_space<semaphore_mem>>)
      %dma_wait3A_253 = arith.constant 0 : i32
      %dma_wait3A_254 = arith.constant 0 : i32
      %dma_wait3A_255 = tpu.memref_slice %arg6[%run_scoped3A_194, %dma_wait3A_253, %dma_wait3A_254] : memref<8x32x128xf32, #tpu.memory_space<vmem>> -> memref<1x32x128xf32, #tpu.memory_space<vmem>>
      %dma_wait3A_256 = tpu.memref_squeeze %dma_wait3A_255 : memref<1x32x128xf32, #tpu.memory_space<vmem>> -> memref<32x128xf32, #tpu.memory_space<vmem>>
      %dma_wait3A_257 = arith.constant 0 : i32
      %dma_wait3A_258 = tpu.memref_slice %arg4[%add3A_193, %dma_wait3A_257] : memref<8192x128xf32, #tpu.memory_space<hbm>> -> memref<32x128xf32, #tpu.memory_space<hbm>>
      %dma_wait3A_259 = arith.constant 0 : i32
      %dma_wait3A_260 = tpu.memref_slice %arg4[%add3A_193, %dma_wait3A_259] : memref<8192x128xf32, #tpu.memory_space<hbm>> -> memref<32x128xf32, #tpu.memory_space<hbm>>
      %dma_wait3A_261 = arith.constant 0 : i32
      %dma_wait3A_262 = arith.constant 0 : i32
      %dma_wait3A_263 = tpu.memref_slice %arg6[%run_scoped3A_194, %dma_wait3A_261, %dma_wait3A_262] : memref<8x32x128xf32, #tpu.memory_space<vmem>> -> memref<1x32x128xf32, #tpu.memory_space<vmem>>
      %dma_wait3A_264 = tpu.memref_squeeze %dma_wait3A_263 : memref<1x32x128xf32, #tpu.memory_space<vmem>> -> memref<32x128xf32, #tpu.memory_space<vmem>>
      tpu.wait_dma2 semaphore(%run_scoped3A_240 : memref<!tpu.dma_semaphore, #tpu.memory_space<semaphore_mem>>) src(%dma_wait3A_264 : memref<32x128xf32, #tpu.memory_space<vmem>>) dst(%dma_wait3A_260 : memref<32x128xf32, #tpu.memory_space<hbm>>)
      tpu.yield
    }) : () -> ()
    %dma_wait3A_195 = arith.constant 5 : i32
    %dma_wait3A_196 = arith.constant 5 : i32
    %dma_wait3A_197 = arith.constant 0 : i32
    %dma_wait3A_198 = arith.constant 0 : i32
    %dma_wait3A_199 = tpu.memref_slice %arg6[%dma_wait3A_196, %dma_wait3A_197, %dma_wait3A_198] : memref<8x32x128xf32, #tpu.memory_space<vmem>> -> memref<1x32x128xf32, #tpu.memory_space<vmem>>
    %dma_wait3A_200 = tpu.memref_squeeze %dma_wait3A_199 : memref<1x32x128xf32, #tpu.memory_space<vmem>> -> memref<32x128xf32, #tpu.memory_space<vmem>>
    %dma_wait3A_201 = arith.constant 0 : i32
    %dma_wait3A_202 = tpu.memref_slice %arg5[%dma_wait3A_195, %dma_wait3A_201] : memref<8x32xi32, #tpu.memory_space<vmem>> -> memref<1x32xi32, #tpu.memory_space<vmem>>
    %dma_wait3A_203 = tpu.memref_squeeze %dma_wait3A_202 : memref<1x32xi32, #tpu.memory_space<vmem>> -> memref<32xi32, #tpu.memory_space<vmem>>
    %dma_wait3A_204 = arith.constant 0 : i32
    %dma_wait3A_205 = arith.constant 0 : i32
    %dma_wait3A_206 = tpu.memref_slice %arg3[%dma_wait3A_204, %dma_wait3A_205] : memref<500000x128xf32, #tpu.memory_space<hbm>> -> memref<500000x128xf32, #tpu.memory_space<hbm>>
    tpu.wait_indirect_dma semaphore(%arg12 : memref<!tpu.dma_semaphore, #tpu.memory_space<semaphore_mem>>) src(%dma_wait3A_206 : memref<500000x128xf32, #tpu.memory_space<hbm>>) dst(%dma_wait3A_200 : memref<32x128xf32, #tpu.memory_space<vmem>>)
    %add3A_207 = arith.constant 160 : i32
    %add3A_208 = arith.addi %mul3A_2, %add3A_207 : i32
    %run_scoped3A_209 = arith.constant 5 : i32
    "tpu.region"() ({
      %run_scoped3A_240 = tpu.sem_alloc : memref<!tpu.dma_semaphore, #tpu.memory_space<semaphore_mem>>
      %dma_start3A_241 = arith.constant 0 : i32
      %dma_start3A_242 = arith.constant 0 : i32
      %dma_start3A_243 = tpu.memref_slice %arg6[%run_scoped3A_209, %dma_start3A_241, %dma_start3A_242] : memref<8x32x128xf32, #tpu.memory_space<vmem>> -> memref<1x32x128xf32, #tpu.memory_space<vmem>>
      %dma_start3A_244 = tpu.memref_squeeze %dma_start3A_243 : memref<1x32x128xf32, #tpu.memory_space<vmem>> -> memref<32x128xf32, #tpu.memory_space<vmem>>
      %dma_start3A_245 = arith.constant 0 : i32
      %dma_start3A_246 = tpu.memref_slice %arg4[%add3A_208, %dma_start3A_245] : memref<8192x128xf32, #tpu.memory_space<hbm>> -> memref<32x128xf32, #tpu.memory_space<hbm>>
      %dma_start3A_247 = arith.constant 0 : i32
      %dma_start3A_248 = tpu.memref_slice %arg4[%add3A_208, %dma_start3A_247] : memref<8192x128xf32, #tpu.memory_space<hbm>> -> memref<32x128xf32, #tpu.memory_space<hbm>>
      %dma_start3A_249 = arith.constant 0 : i32
      %dma_start3A_250 = arith.constant 0 : i32
      %dma_start3A_251 = tpu.memref_slice %arg6[%run_scoped3A_209, %dma_start3A_249, %dma_start3A_250] : memref<8x32x128xf32, #tpu.memory_space<vmem>> -> memref<1x32x128xf32, #tpu.memory_space<vmem>>
      %dma_start3A_252 = tpu.memref_squeeze %dma_start3A_251 : memref<1x32x128xf32, #tpu.memory_space<vmem>> -> memref<32x128xf32, #tpu.memory_space<vmem>>
      tpu.enqueue_dma source(%dma_start3A_252 : memref<32x128xf32, #tpu.memory_space<vmem>>) target(%dma_start3A_248 : memref<32x128xf32, #tpu.memory_space<hbm>>) target_semaphore(%run_scoped3A_240 : memref<!tpu.dma_semaphore, #tpu.memory_space<semaphore_mem>>)
      %dma_wait3A_253 = arith.constant 0 : i32
      %dma_wait3A_254 = arith.constant 0 : i32
      %dma_wait3A_255 = tpu.memref_slice %arg6[%run_scoped3A_209, %dma_wait3A_253, %dma_wait3A_254] : memref<8x32x128xf32, #tpu.memory_space<vmem>> -> memref<1x32x128xf32, #tpu.memory_space<vmem>>
      %dma_wait3A_256 = tpu.memref_squeeze %dma_wait3A_255 : memref<1x32x128xf32, #tpu.memory_space<vmem>> -> memref<32x128xf32, #tpu.memory_space<vmem>>
      %dma_wait3A_257 = arith.constant 0 : i32
      %dma_wait3A_258 = tpu.memref_slice %arg4[%add3A_208, %dma_wait3A_257] : memref<8192x128xf32, #tpu.memory_space<hbm>> -> memref<32x128xf32, #tpu.memory_space<hbm>>
      %dma_wait3A_259 = arith.constant 0 : i32
      %dma_wait3A_260 = tpu.memref_slice %arg4[%add3A_208, %dma_wait3A_259] : memref<8192x128xf32, #tpu.memory_space<hbm>> -> memref<32x128xf32, #tpu.memory_space<hbm>>
      %dma_wait3A_261 = arith.constant 0 : i32
      %dma_wait3A_262 = arith.constant 0 : i32
      %dma_wait3A_263 = tpu.memref_slice %arg6[%run_scoped3A_209, %dma_wait3A_261, %dma_wait3A_262] : memref<8x32x128xf32, #tpu.memory_space<vmem>> -> memref<1x32x128xf32, #tpu.memory_space<vmem>>
      %dma_wait3A_264 = tpu.memref_squeeze %dma_wait3A_263 : memref<1x32x128xf32, #tpu.memory_space<vmem>> -> memref<32x128xf32, #tpu.memory_space<vmem>>
      tpu.wait_dma2 semaphore(%run_scoped3A_240 : memref<!tpu.dma_semaphore, #tpu.memory_space<semaphore_mem>>) src(%dma_wait3A_264 : memref<32x128xf32, #tpu.memory_space<vmem>>) dst(%dma_wait3A_260 : memref<32x128xf32, #tpu.memory_space<hbm>>)
      tpu.yield
    }) : () -> ()
    %dma_wait3A_210 = arith.constant 6 : i32
    %dma_wait3A_211 = arith.constant 6 : i32
    %dma_wait3A_212 = arith.constant 0 : i32
    %dma_wait3A_213 = arith.constant 0 : i32
    %dma_wait3A_214 = tpu.memref_slice %arg6[%dma_wait3A_211, %dma_wait3A_212, %dma_wait3A_213] : memref<8x32x128xf32, #tpu.memory_space<vmem>> -> memref<1x32x128xf32, #tpu.memory_space<vmem>>
    %dma_wait3A_215 = tpu.memref_squeeze %dma_wait3A_214 : memref<1x32x128xf32, #tpu.memory_space<vmem>> -> memref<32x128xf32, #tpu.memory_space<vmem>>
    %dma_wait3A_216 = arith.constant 0 : i32
    %dma_wait3A_217 = tpu.memref_slice %arg5[%dma_wait3A_210, %dma_wait3A_216] : memref<8x32xi32, #tpu.memory_space<vmem>> -> memref<1x32xi32, #tpu.memory_space<vmem>>
    %dma_wait3A_218 = tpu.memref_squeeze %dma_wait3A_217 : memref<1x32xi32, #tpu.memory_space<vmem>> -> memref<32xi32, #tpu.memory_space<vmem>>
    %dma_wait3A_219 = arith.constant 0 : i32
    %dma_wait3A_220 = arith.constant 0 : i32
    %dma_wait3A_221 = tpu.memref_slice %arg3[%dma_wait3A_219, %dma_wait3A_220] : memref<500000x128xf32, #tpu.memory_space<hbm>> -> memref<500000x128xf32, #tpu.memory_space<hbm>>
    tpu.wait_indirect_dma semaphore(%arg13 : memref<!tpu.dma_semaphore, #tpu.memory_space<semaphore_mem>>) src(%dma_wait3A_221 : memref<500000x128xf32, #tpu.memory_space<hbm>>) dst(%dma_wait3A_215 : memref<32x128xf32, #tpu.memory_space<vmem>>)
    %add3A_222 = arith.constant 192 : i32
    %add3A_223 = arith.addi %mul3A_2, %add3A_222 : i32
    %run_scoped3A_224 = arith.constant 6 : i32
    "tpu.region"() ({
      %run_scoped3A_240 = tpu.sem_alloc : memref<!tpu.dma_semaphore, #tpu.memory_space<semaphore_mem>>
      %dma_start3A_241 = arith.constant 0 : i32
      %dma_start3A_242 = arith.constant 0 : i32
      %dma_start3A_243 = tpu.memref_slice %arg6[%run_scoped3A_224, %dma_start3A_241, %dma_start3A_242] : memref<8x32x128xf32, #tpu.memory_space<vmem>> -> memref<1x32x128xf32, #tpu.memory_space<vmem>>
      %dma_start3A_244 = tpu.memref_squeeze %dma_start3A_243 : memref<1x32x128xf32, #tpu.memory_space<vmem>> -> memref<32x128xf32, #tpu.memory_space<vmem>>
      %dma_start3A_245 = arith.constant 0 : i32
      %dma_start3A_246 = tpu.memref_slice %arg4[%add3A_223, %dma_start3A_245] : memref<8192x128xf32, #tpu.memory_space<hbm>> -> memref<32x128xf32, #tpu.memory_space<hbm>>
      %dma_start3A_247 = arith.constant 0 : i32
      %dma_start3A_248 = tpu.memref_slice %arg4[%add3A_223, %dma_start3A_247] : memref<8192x128xf32, #tpu.memory_space<hbm>> -> memref<32x128xf32, #tpu.memory_space<hbm>>
      %dma_start3A_249 = arith.constant 0 : i32
      %dma_start3A_250 = arith.constant 0 : i32
      %dma_start3A_251 = tpu.memref_slice %arg6[%run_scoped3A_224, %dma_start3A_249, %dma_start3A_250] : memref<8x32x128xf32, #tpu.memory_space<vmem>> -> memref<1x32x128xf32, #tpu.memory_space<vmem>>
      %dma_start3A_252 = tpu.memref_squeeze %dma_start3A_251 : memref<1x32x128xf32, #tpu.memory_space<vmem>> -> memref<32x128xf32, #tpu.memory_space<vmem>>
      tpu.enqueue_dma source(%dma_start3A_252 : memref<32x128xf32, #tpu.memory_space<vmem>>) target(%dma_start3A_248 : memref<32x128xf32, #tpu.memory_space<hbm>>) target_semaphore(%run_scoped3A_240 : memref<!tpu.dma_semaphore, #tpu.memory_space<semaphore_mem>>)
      %dma_wait3A_253 = arith.constant 0 : i32
      %dma_wait3A_254 = arith.constant 0 : i32
      %dma_wait3A_255 = tpu.memref_slice %arg6[%run_scoped3A_224, %dma_wait3A_253, %dma_wait3A_254] : memref<8x32x128xf32, #tpu.memory_space<vmem>> -> memref<1x32x128xf32, #tpu.memory_space<vmem>>
      %dma_wait3A_256 = tpu.memref_squeeze %dma_wait3A_255 : memref<1x32x128xf32, #tpu.memory_space<vmem>> -> memref<32x128xf32, #tpu.memory_space<vmem>>
      %dma_wait3A_257 = arith.constant 0 : i32
      %dma_wait3A_258 = tpu.memref_slice %arg4[%add3A_223, %dma_wait3A_257] : memref<8192x128xf32, #tpu.memory_space<hbm>> -> memref<32x128xf32, #tpu.memory_space<hbm>>
      %dma_wait3A_259 = arith.constant 0 : i32
      %dma_wait3A_260 = tpu.memref_slice %arg4[%add3A_223, %dma_wait3A_259] : memref<8192x128xf32, #tpu.memory_space<hbm>> -> memref<32x128xf32, #tpu.memory_space<hbm>>
      %dma_wait3A_261 = arith.constant 0 : i32
      %dma_wait3A_262 = arith.constant 0 : i32
      %dma_wait3A_263 = tpu.memref_slice %arg6[%run_scoped3A_224, %dma_wait3A_261, %dma_wait3A_262] : memref<8x32x128xf32, #tpu.memory_space<vmem>> -> memref<1x32x128xf32, #tpu.memory_space<vmem>>
      %dma_wait3A_264 = tpu.memref_squeeze %dma_wait3A_263 : memref<1x32x128xf32, #tpu.memory_space<vmem>> -> memref<32x128xf32, #tpu.memory_space<vmem>>
      tpu.wait_dma2 semaphore(%run_scoped3A_240 : memref<!tpu.dma_semaphore, #tpu.memory_space<semaphore_mem>>) src(%dma_wait3A_264 : memref<32x128xf32, #tpu.memory_space<vmem>>) dst(%dma_wait3A_260 : memref<32x128xf32, #tpu.memory_space<hbm>>)
      tpu.yield
    }) : () -> ()
    %dma_wait3A_225 = arith.constant 7 : i32
    %dma_wait3A_226 = arith.constant 7 : i32
    %dma_wait3A_227 = arith.constant 0 : i32
    %dma_wait3A_228 = arith.constant 0 : i32
    %dma_wait3A_229 = tpu.memref_slice %arg6[%dma_wait3A_226, %dma_wait3A_227, %dma_wait3A_228] : memref<8x32x128xf32, #tpu.memory_space<vmem>> -> memref<1x32x128xf32, #tpu.memory_space<vmem>>
    %dma_wait3A_230 = tpu.memref_squeeze %dma_wait3A_229 : memref<1x32x128xf32, #tpu.memory_space<vmem>> -> memref<32x128xf32, #tpu.memory_space<vmem>>
    %dma_wait3A_231 = arith.constant 0 : i32
    %dma_wait3A_232 = tpu.memref_slice %arg5[%dma_wait3A_225, %dma_wait3A_231] : memref<8x32xi32, #tpu.memory_space<vmem>> -> memref<1x32xi32, #tpu.memory_space<vmem>>
    %dma_wait3A_233 = tpu.memref_squeeze %dma_wait3A_232 : memref<1x32xi32, #tpu.memory_space<vmem>> -> memref<32xi32, #tpu.memory_space<vmem>>
    %dma_wait3A_234 = arith.constant 0 : i32
    %dma_wait3A_235 = arith.constant 0 : i32
    %dma_wait3A_236 = tpu.memref_slice %arg3[%dma_wait3A_234, %dma_wait3A_235] : memref<500000x128xf32, #tpu.memory_space<hbm>> -> memref<500000x128xf32, #tpu.memory_space<hbm>>
    tpu.wait_indirect_dma semaphore(%arg14 : memref<!tpu.dma_semaphore, #tpu.memory_space<semaphore_mem>>) src(%dma_wait3A_236 : memref<500000x128xf32, #tpu.memory_space<hbm>>) dst(%dma_wait3A_230 : memref<32x128xf32, #tpu.memory_space<vmem>>)
    %add3A_237 = arith.constant 224 : i32
    %add3A_238 = arith.addi %mul3A_2, %add3A_237 : i32
    %run_scoped3A_239 = arith.constant 7 : i32
    "tpu.region"() ({
      %run_scoped3A_240 = tpu.sem_alloc : memref<!tpu.dma_semaphore, #tpu.memory_space<semaphore_mem>>
      %dma_start3A_241 = arith.constant 0 : i32
      %dma_start3A_242 = arith.constant 0 : i32
      %dma_start3A_243 = tpu.memref_slice %arg6[%run_scoped3A_239, %dma_start3A_241, %dma_start3A_242] : memref<8x32x128xf32, #tpu.memory_space<vmem>> -> memref<1x32x128xf32, #tpu.memory_space<vmem>>
      %dma_start3A_244 = tpu.memref_squeeze %dma_start3A_243 : memref<1x32x128xf32, #tpu.memory_space<vmem>> -> memref<32x128xf32, #tpu.memory_space<vmem>>
      %dma_start3A_245 = arith.constant 0 : i32
      %dma_start3A_246 = tpu.memref_slice %arg4[%add3A_238, %dma_start3A_245] : memref<8192x128xf32, #tpu.memory_space<hbm>> -> memref<32x128xf32, #tpu.memory_space<hbm>>
      %dma_start3A_247 = arith.constant 0 : i32
      %dma_start3A_248 = tpu.memref_slice %arg4[%add3A_238, %dma_start3A_247] : memref<8192x128xf32, #tpu.memory_space<hbm>> -> memref<32x128xf32, #tpu.memory_space<hbm>>
      %dma_start3A_249 = arith.constant 0 : i32
      %dma_start3A_250 = arith.constant 0 : i32
      %dma_start3A_251 = tpu.memref_slice %arg6[%run_scoped3A_239, %dma_start3A_249, %dma_start3A_250] : memref<8x32x128xf32, #tpu.memory_space<vmem>> -> memref<1x32x128xf32, #tpu.memory_space<vmem>>
      %dma_start3A_252 = tpu.memref_squeeze %dma_start3A_251 : memref<1x32x128xf32, #tpu.memory_space<vmem>> -> memref<32x128xf32, #tpu.memory_space<vmem>>
      tpu.enqueue_dma source(%dma_start3A_252 : memref<32x128xf32, #tpu.memory_space<vmem>>) target(%dma_start3A_248 : memref<32x128xf32, #tpu.memory_space<hbm>>) target_semaphore(%run_scoped3A_240 : memref<!tpu.dma_semaphore, #tpu.memory_space<semaphore_mem>>)
      %dma_wait3A_253 = arith.constant 0 : i32
      %dma_wait3A_254 = arith.constant 0 : i32
      %dma_wait3A_255 = tpu.memref_slice %arg6[%run_scoped3A_239, %dma_wait3A_253, %dma_wait3A_254] : memref<8x32x128xf32, #tpu.memory_space<vmem>> -> memref<1x32x128xf32, #tpu.memory_space<vmem>>
      %dma_wait3A_256 = tpu.memref_squeeze %dma_wait3A_255 : memref<1x32x128xf32, #tpu.memory_space<vmem>> -> memref<32x128xf32, #tpu.memory_space<vmem>>
      %dma_wait3A_257 = arith.constant 0 : i32
      %dma_wait3A_258 = tpu.memref_slice %arg4[%add3A_238, %dma_wait3A_257] : memref<8192x128xf32, #tpu.memory_space<hbm>> -> memref<32x128xf32, #tpu.memory_space<hbm>>
      %dma_wait3A_259 = arith.constant 0 : i32
      %dma_wait3A_260 = tpu.memref_slice %arg4[%add3A_238, %dma_wait3A_259] : memref<8192x128xf32, #tpu.memory_space<hbm>> -> memref<32x128xf32, #tpu.memory_space<hbm>>
      %dma_wait3A_261 = arith.constant 0 : i32
      %dma_wait3A_262 = arith.constant 0 : i32
      %dma_wait3A_263 = tpu.memref_slice %arg6[%run_scoped3A_239, %dma_wait3A_261, %dma_wait3A_262] : memref<8x32x128xf32, #tpu.memory_space<vmem>> -> memref<1x32x128xf32, #tpu.memory_space<vmem>>
      %dma_wait3A_264 = tpu.memref_squeeze %dma_wait3A_263 : memref<1x32x128xf32, #tpu.memory_space<vmem>> -> memref<32x128xf32, #tpu.memory_space<vmem>>
      tpu.wait_dma2 semaphore(%run_scoped3A_240 : memref<!tpu.dma_semaphore, #tpu.memory_space<semaphore_mem>>) src(%dma_wait3A_264 : memref<32x128xf32, #tpu.memory_space<vmem>>) dst(%dma_wait3A_260 : memref<32x128xf32, #tpu.memory_space<hbm>>)
      tpu.yield
    }) : () -> ()
    return
  }
}

module attributes {stable_mosaic.version = 14 : i64} {
  func.func @_dense_body(%arg0: i32, %arg1: memref<512x128xf32, #tpu.memory_space<vmem>>, %arg2: memref<512x1xi32, #tpu.memory_space<vmem>>, %arg3: memref<512x64xf32, #tpu.memory_space<vmem>>, %arg4: memref<64x768xf32, #tpu.memory_space<vmem>>, %arg5: memref<1x768xf32, #tpu.memory_space<vmem>>, %arg6: memref<1x768xf32, #tpu.memory_space<vmem>>, %arg7: memref<1x768xf32, #tpu.memory_space<vmem>>, %arg8: memref<512x768xf32, #tpu.memory_space<vmem>>) attributes {dimension_semantics = [#tpu.dimension_semantics<arbitrary>], iteration_bounds = array<i64: 16>, scalar_prefetch = 0 : i64, scratch_operands = 0 : i64, tpu.core_type = #tpu.core_type<tc>, window_params = [{transform_indices = @transform_0, window_bounds = array<i64: 512, 128>}, {transform_indices = @transform_1, window_bounds = array<i64: 512, 1>}, {transform_indices = @transform_2, window_bounds = array<i64: 512, 64>}, {pipeline_mode = #tpu.pipeline_mode<synchronous>, transform_indices = @transform_3, window_bounds = array<i64: 64, 768>}, {pipeline_mode = #tpu.pipeline_mode<synchronous>, transform_indices = @transform_4, window_bounds = array<i64: 1, 768>}, {pipeline_mode = #tpu.pipeline_mode<synchronous>, transform_indices = @transform_5, window_bounds = array<i64: 1, 768>}, {pipeline_mode = #tpu.pipeline_mode<synchronous>, transform_indices = @transform_6, window_bounds = array<i64: 1, 768>}, {transform_indices = @transform_7, window_bounds = array<i64: 512, 768>}]} {
    %get3A = arith.constant 0 : index
    %get3A_0 = arith.constant 0 : index
    %get3A_1 = vector.load %arg1[%get3A, %get3A_0] : memref<512x128xf32, #tpu.memory_space<vmem>>, vector<512x128xf32>
    %get3A_2 = arith.constant 0 : index
    %get3A_3 = arith.constant 0 : index
    %get3A_4 = vector.load %arg2[%get3A_2, %get3A_3] : memref<512x1xi32, #tpu.memory_space<vmem>>, vector<512x1xi32>
    %eq3A = arith.constant 0 : i32
    %eq3A_5 = vector.broadcast %eq3A : i32 to vector<512x1xi32>
    %eq3A_6 = arith.cmpi eq, %get3A_4, %eq3A_5 : vector<512x1xi32>
    %slice3A = vector.extract_strided_slice %get3A_1 {offsets = [0, 0], sizes = [512, 64], strides = [1, 1]} : vector<512x128xf32> to vector<512x64xf32>
    %slice3A_7 = vector.extract_strided_slice %get3A_1 {offsets = [0, 64], sizes = [512, 64], strides = [1, 1]} : vector<512x128xf32> to vector<512x64xf32>
    %broadcast_in_dim3A = vector.shape_cast %eq3A_6 : vector<512x1xi1> to vector<512x1xi1>
    %broadcast_in_dim3A_8 = vector.broadcast %broadcast_in_dim3A : vector<512x1xi1> to vector<512x64xi1>
    %select_n3A = arith.select %broadcast_in_dim3A_8, %slice3A, %slice3A_7 : vector<512x64xi1>, vector<512x64xf32>
    %get3A_9 = arith.constant 0 : index
    %get3A_10 = arith.constant 0 : index
    %get3A_11 = vector.load %arg3[%get3A_9, %get3A_10] : memref<512x64xf32, #tpu.memory_space<vmem>>, vector<512x64xf32>
    %add3A = arith.addf %select_n3A, %get3A_11 : vector<512x64xf32>
    %get3A_12 = arith.constant 0 : index
    %get3A_13 = arith.constant 0 : index
    %get3A_14 = vector.load %arg4[%get3A_12, %get3A_13] : memref<64x768xf32, #tpu.memory_space<vmem>>, vector<64x768xf32>
    %dot_general3A = arith.constant dense<0.000000e+00> : vector<512x768xf32>
    %dot_general3A_15 = tpu.matmul %add3A, %get3A_14, %dot_general3A {dimension_numbers = #tpu.dot_dimension_numbers<[1], [0], [0], [1], [0, 0, 1, 1], [], []>, transpose_lhs_hint = false} : vector<512x64xf32>, vector<64x768xf32>, vector<512x768xf32> -> vector<512x768xf32>
    %get3A_16 = arith.constant 0 : index
    %get3A_17 = arith.constant 0 : index
    %get3A_18 = vector.load %arg5[%get3A_16, %get3A_17] : memref<1x768xf32, #tpu.memory_space<vmem>>, vector<1x768xf32>
    %add3A_19 = vector.broadcast %get3A_18 : vector<1x768xf32> to vector<512x768xf32>
    %add3A_20 = arith.addf %dot_general3A_15, %add3A_19 : vector<512x768xf32>
    %reduce_sum3A = arith.constant dense<0.000000e+00> : vector<512xf32>
    %reduce_sum3A_21 = vector.multi_reduction <add>, %add3A_20, %reduce_sum3A [1] : vector<512x768xf32> to vector<512xf32>
    %broadcast_in_dim3A_22 = vector.shape_cast %reduce_sum3A_21 : vector<512xf32> to vector<512x1xf32>
    %div3A = arith.constant 7.680000e+02 : f32
    %div3A_23 = vector.broadcast %div3A : f32 to vector<512x1xf32>
    %div3A_24 = arith.divf %broadcast_in_dim3A_22, %div3A_23 : vector<512x1xf32>
    %sub3A = vector.broadcast %div3A_24 : vector<512x1xf32> to vector<512x768xf32>
    %sub3A_25 = arith.subf %add3A_20, %sub3A : vector<512x768xf32>
    %mul3A = arith.mulf %sub3A_25, %sub3A_25 : vector<512x768xf32>
    %reduce_sum3A_26 = arith.constant dense<0.000000e+00> : vector<512xf32>
    %reduce_sum3A_27 = vector.multi_reduction <add>, %mul3A, %reduce_sum3A_26 [1] : vector<512x768xf32> to vector<512xf32>
    %broadcast_in_dim3A_28 = vector.shape_cast %reduce_sum3A_27 : vector<512xf32> to vector<512x1xf32>
    %div3A_29 = arith.constant 7.680000e+02 : f32
    %div3A_30 = vector.broadcast %div3A_29 : f32 to vector<512x1xf32>
    %div3A_31 = arith.divf %broadcast_in_dim3A_28, %div3A_30 : vector<512x1xf32>
    %add3A_32 = arith.constant 9.99999974E-6 : f32
    %add3A_33 = vector.broadcast %add3A_32 : f32 to vector<512x1xf32>
    %add3A_34 = arith.addf %div3A_31, %add3A_33 : vector<512x1xf32>
    %rsqrt3A = math.rsqrt %add3A_34 : vector<512x1xf32>
    %mul3A_35 = vector.broadcast %rsqrt3A : vector<512x1xf32> to vector<512x768xf32>
    %mul3A_36 = arith.mulf %sub3A_25, %mul3A_35 : vector<512x768xf32>
    %get3A_37 = arith.constant 0 : index
    %get3A_38 = arith.constant 0 : index
    %get3A_39 = vector.load %arg6[%get3A_37, %get3A_38] : memref<1x768xf32, #tpu.memory_space<vmem>>, vector<1x768xf32>
    %mul3A_40 = vector.broadcast %get3A_39 : vector<1x768xf32> to vector<512x768xf32>
    %mul3A_41 = arith.mulf %mul3A_36, %mul3A_40 : vector<512x768xf32>
    %get3A_42 = arith.constant 0 : index
    %get3A_43 = arith.constant 0 : index
    %get3A_44 = vector.load %arg7[%get3A_42, %get3A_43] : memref<1x768xf32, #tpu.memory_space<vmem>>, vector<1x768xf32>
    %add3A_45 = vector.broadcast %get3A_44 : vector<1x768xf32> to vector<512x768xf32>
    %add3A_46 = arith.addf %mul3A_41, %add3A_45 : vector<512x768xf32>
    %swap3A = arith.constant 0 : index
    %swap3A_47 = arith.constant 0 : index
    %swap3A_48 = vector.load %arg8[%swap3A, %swap3A_47] : memref<512x768xf32, #tpu.memory_space<vmem>>, vector<512x768xf32>
    tpu.vector_store %arg8[%swap3A, %swap3A_47], %add3A_46 {strides = array<i32>} : memref<512x768xf32, #tpu.memory_space<vmem>>, vector<512x768xf32>,
    return
  }
  func.func @transform_0(%arg0: i32) -> (i32, i32) {
    %c0_i32 = arith.constant 0 : i32
    %c0_i32_0 = arith.constant 0 : i32
    return %arg0, %c0_i32 : i32, i32
  }
  func.func @transform_1(%arg0: i32) -> (i32, i32) {
    %c0_i32 = arith.constant 0 : i32
    %c0_i32_0 = arith.constant 0 : i32
    return %arg0, %c0_i32 : i32, i32
  }
  func.func @transform_2(%arg0: i32) -> (i32, i32) {
    %jit3A = arith.constant 4 : i32
    %eq3A = arith.constant 0 : i32
    %eq3A_0 = arith.cmpi eq, %jit3A, %eq3A : i32
    %jit3A_1 = arith.constant 1 : i32
    %select_n3A = arith.select %eq3A_0, %jit3A_1, %jit3A : i32
    %rem3A = arith.remsi %arg0, %select_n3A : i32
    %ne3A = arith.constant 0 : i32
    %ne3A_2 = arith.cmpi ne, %rem3A, %ne3A : i32
    %lt3A = arith.constant 0 : i32
    %lt3A_3 = arith.cmpi slt, %rem3A, %lt3A : i32
    %lt3A_4 = arith.constant 0 : i32
    %lt3A_5 = arith.cmpi slt, %select_n3A, %lt3A_4 : i32
    %ne3A_6 = arith.xori %lt3A_3, %lt3A_5 : i1
    %and3A = arith.andi %ne3A_6, %ne3A_2 : i1
    %add3A = arith.addi %rem3A, %select_n3A : i32
    %select_n3A_7 = arith.select %and3A, %add3A, %rem3A : i32
    %c0_i32 = arith.constant 0 : i32
    %c0_i32_8 = arith.constant 0 : i32
    return %select_n3A_7, %c0_i32 : i32, i32
  }
  func.func @transform_3(%arg0: i32) -> (i32, i32) {
    %c0_i32 = arith.constant 0 : i32
    %c0_i32_0 = arith.constant 0 : i32
    %c0_i32_1 = arith.constant 0 : i32
    return %c0_i32, %c0_i32_0 : i32, i32
  }
  func.func @transform_4(%arg0: i32) -> (i32, i32) {
    %c0_i32 = arith.constant 0 : i32
    %c0_i32_0 = arith.constant 0 : i32
    %c0_i32_1 = arith.constant 0 : i32
    return %c0_i32, %c0_i32_0 : i32, i32
  }
  func.func @transform_5(%arg0: i32) -> (i32, i32) {
    %c0_i32 = arith.constant 0 : i32
    %c0_i32_0 = arith.constant 0 : i32
    %c0_i32_1 = arith.constant 0 : i32
    return %c0_i32, %c0_i32_0 : i32, i32
  }
  func.func @transform_6(%arg0: i32) -> (i32, i32) {
    %c0_i32 = arith.constant 0 : i32
    %c0_i32_0 = arith.constant 0 : i32
    %c0_i32_1 = arith.constant 0 : i32
    return %c0_i32, %c0_i32_0 : i32, i32
  }
  func.func @transform_7(%arg0: i32) -> (i32, i32) {
    %c0_i32 = arith.constant 0 : i32
    %c0_i32_0 = arith.constant 0 : i32
    return %arg0, %c0_i32 : i32, i32
  }
}

</mosaic_0001>

<sc_bundles>
// kernel: kernel.4.cloned.1.call-start
scs
__scs_entry_jumppad:
0x0: {  	(pc) =	sbr.rel $0x88, $3  }
0x1: {  	(tag) =	ssettag $0x0;
	lr =	simm.s32 $0x1  }
0x2: {  	[smem:$0x3F9A] =	sst lr;
	_ =	strace $0xD0000000  }
0x3: {  	_ = 	snop  }
0x4: {  	_ = 	snop  }
0x5: {  	_ = 	snop  }
0x6: {  	_ = 	snop  }
0x7: {  	_ = 	snop  }
__scs_overlays_trampoline_lowered:
0x8: {  	[smem:$0x3FA9] =	sst s0  }
0x9: {  	[smem:$0x3FAA] =	sst s1  }
0xa: {  	[smem:$0x3FAB] =	sst s2  }
0xb: {  	[smem:$0x3FAC] =	sst s3  }
0xc: {  	[smem:$0x3FAD] =	sst s4  }
0xd: {  	[smem:$0x3FAE] =	sst s5  }
0xe: {  	[smem:$0x3FAF] =	sst s6  }
0xf: {  	[smem:$0x3FB0] =	sst s7  }
0x10: {  	[smem:$0x3FB1] =	sst s8  }
0x11: {  	[smem:$0x3FB2] =	sst s9;
	s0 =	simm.s32 @!p0 $0x0  }
0x12: {  	s1 =	sld [smem:$0x3F98];
	s0 =	simm.s32 @p0 $0x1  }
0x13: {  	[smem:$0x3FB3] =	sst s0;
	s0 =	simm.s32 @!p1 $0x0  }
0x14: {  	s2 =	sld [smem:$0x3F97];
	s0 =	simm.s32 @p1 $0x1  }
0x15: {  	[smem:$0x3FB4] =	sst s0;
	s0 =	simm.s32 @!p2 $0x0  }
0x16: {  	s3 =	sld [smem:$0x3FDB];
	s0 =	simm.s32 @p2 $0x1  }
0x17: {  	s4 =	simm.s32 $0x1BF5;
	[smem:$0x3FB6] =	sst s0  }
0x18: {  	s0 =	sld [smem:$0x3F99];
	_ =	swait.ge [sflag:s4], $0x0  }
0x19: {  	s7 =	sld [smem:$0x3F9A]  }
0x1a: {  	s8 =	sadd.s32 $0xFFFFE003, lr  }
0x1b: {  	s9 =	sadd.s32 $0xFFFFFEF7, lr;
	s5 =	simm.s32 $0xFFFFFFFF;
	p2 =	slt.u32 s8, $0xFFFFF086  }
0x1c: {  	p1 =	slt.u32 s9, $0xF7A;
	s5 =	simm.s32 @!p2 $0x0  }
0x1d: {  	s5 =	simm.s32 @p1 $0x1;
	p0 =	seq.s32 s7, s2  }
0x1e: {  	s7 =	smul.u32 @!p0 $0xF7A, s2;
	p2 =	seq.s32 @!p0 s5, $0x0  }
0x1f: {  	s9 =	smul.u32 $0xF7A, s1;
	s8 =	simm.s32 @!p0 $0x1BF5;
	p2 =	por !p2, p0  }
0x20: {  	[sflag:s8] =	ssyncset.s32 @!p0 $0xFFFFF086;
	s6 =	sadd.s32 @!p0 s3, s7;
	s7 =	simm.s32 @!p0 $0x108  }
0x21: {  	s3 =	sadd.s32 s3, s9;
	s6 =	sadd.s32 @!p0 $0x88, s6;
	s7 =	simm.s32 @p2 $0x1082  }
0x22: {  	[simem:s7], [sflag:s8] =	dma.local @!p0 [hbm:s6], $0xF7A  }
0x23: {  	s9 =	sor.u32 $0xD0000000, s2;
	s6 =	simm.s32 $0x108;
	_ =	swait.ge @!p0 [sflag:s8], $0x0  }
0x24: {  	s3 =	sadd.s32 $0x88, s3;
	s6 =	simm.s32 @!p1 $0x1082;
	[sflag:s4] =	ssyncset.s32 $0xFFFFF086  }
0x25: {  	[simem:s6], [sflag:s4] =	dma.local [hbm:s3], $0xF7A  }
0x26: {  	[smem:$0x3F9A] =	sst s1;
	(tag) =	ssettag s2;
	_ =	strace s9  }
0x27: {  	s1 =	sld [smem:$0x3FAA]  }
0x28: {  	s2 =	sld [smem:$0x3FAB]  }
0x29: {  	s4 =	sld [smem:$0x3FAD]  }
0x2a: {  	p0 =	seq.s32 s5, $0x0;
	s5 =	sld [smem:$0x3FAE]  }
0x2b: {  	s6 =	sld [smem:$0x3FAF]  }
0x2c: {  	s7 =	sld [smem:$0x3FB0]  }
0x2d: {  	s3 =	simm.s32 $0x108;
	s8 =	sld [smem:$0x3FB1]  }
0x2e: {  	s3 =	simm.s32 @!p0 $0x1082;
	s9 =	sld [smem:$0x3FB2]  }
0x2f: {  	lr =	sadd.s32 s0, s3;
	s0 =	sld [smem:$0x3FA9]  }
0x30: {  	s3 =	sld [smem:$0x3FAC]  }
0x31: {  	[smem:$0x3FB5] =	sst s10  }
0x32: {  	s10 =	sld [smem:$0x3FB3];
	_ =	sdelay $0x3  }
0x33: {  	p0 =	seq.s32 s10, $0x1;
	s10 =	sld [smem:$0x3FB5];
	_ =	sdelay $0x3  }
0x34: {  	[smem:$0x3FB5] =	sst s10  }
0x35: {  	s10 =	sld [smem:$0x3FB4];
	_ =	sdelay $0x3  }
0x36: {  	p1 =	seq.s32 s10, $0x1;
	s10 =	sld [smem:$0x3FB5];
	_ =	sdelay $0x3  }
0x37: {  	[smem:$0x3FB5] =	sst s10  }
0x38: {  	s10 =	sld [smem:$0x3FB6]  }
0x39: {  	_ = 	snop;
	(pc) =	sbr.ind lr, $3  }
0x3a: {  	_ = 	snop  }
0x3b: {  	_ = 	snop  }
0x3c: {  	p2 =	seq.s32 s10, $0x1;
	s10 =	sld [smem:$0x3FB5]  }
0x3d: {  	_ =	shalt  }
0x3e: {  	_ =	shalt  }
0x3f: {  	_ =	shalt  }
0x40: {  	_ =	shalt  }
0x41: {  	_ =	shalt  }
0x42: {  	_ =	shalt  }
0x43: {  	_ =	shalt  }
0x44: {  	_ =	shalt  }
0x45: {  	_ =	shalt  }
0x46: {  	_ =	shalt  }
0x47: {  	_ =	shalt  }
0x48: {  	_ =	shalt  }
0x49: {  	_ =	shalt  }
0x4a: {  	_ =	shalt  }
0x4b: {  	_ =	shalt  }
0x4c: {  	_ =	shalt  }
0x4d: {  	_ =	shalt  }
0x4e: {  	_ =	shalt  }
0x4f: {  	_ =	shalt  }
0x50: {  	_ =	shalt  }
0x51: {  	_ =	shalt  }
0x52: {  	_ =	shalt  }
0x53: {  	_ =	shalt  }
0x54: {  	_ =	shalt  }
0x55: {  	_ =	shalt  }
0x56: {  	_ =	shalt  }
0x57: {  	_ =	shalt  }
0x58: {  	_ =	shalt  }
0x59: {  	_ =	shalt  }
0x5a: {  	_ =	shalt  }
0x5b: {  	_ =	shalt  }
0x5c: {  	_ =	shalt  }
0x5d: {  	_ =	shalt  }
0x5e: {  	_ =	shalt  }
0x5f: {  	_ =	shalt  }
0x60: {  	_ =	shalt  }
0x61: {  	_ =	shalt  }
0x62: {  	_ =	shalt  }
0x63: {  	_ =	shalt  }
0x64: {  	_ =	shalt  }
0x65: {  	_ =	shalt  }
0x66: {  	_ =	shalt  }
0x67: {  	_ =	shalt  }
0x68: {  	_ =	shalt  }
0x69: {  	_ =	shalt  }
0x6a: {  	_ =	shalt  }
0x6b: {  	_ =	shalt  }
0x6c: {  	_ =	shalt  }
0x6d: {  	_ =	shalt  }
0x6e: {  	_ =	shalt  }
0x6f: {  	_ =	shalt  }
0x70: {  	_ =	shalt  }
0x71: {  	_ =	shalt  }
0x72: {  	_ =	shalt  }
0x73: {  	_ =	shalt  }
0x74: {  	_ =	shalt  }
0x75: {  	_ =	shalt  }
0x76: {  	_ =	shalt  }
0x77: {  	_ =	shalt  }
0x78: {  	_ =	shalt  }
0x79: {  	_ =	shalt  }
0x7a: {  	_ =	shalt  }
0x7b: {  	_ =	shalt  }
0x7c: {  	_ =	shalt  }
0x7d: {  	_ =	shalt  }
0x7e: {  	_ =	shalt  }
0x7f: {  	_ =	shalt  }
0x80: {  	_ =	shalt  }
0x81: {  	_ =	shalt  }
0x82: {  	_ =	shalt  }
0x83: {  	_ =	shalt  }
0x84: {  	_ =	shalt  }
0x85: {  	_ =	shalt  }
0x86: {  	_ =	shalt  }
0x87: {  	_ =	shalt  }
.Lfunc_end0:
.L_simem_size_0:
called_computation_lowered:
.L_overlay_start_0:
0x88: {  	s2 =	sld [smem:$0x3FD9]  }
0x89: {  	s3 =	sld [smem:$0x3FFE];
	_ =	sdelay $0x1  }
0x8a: {  	s1 =	srdreg.scid  }
0x8b: {  	s0 =	sand.u32 $0x1, s1  }
0x8c: {  	s17 =	sshll.u32 s0, $0xA;
	s2 =	sadd.s32 s3, s2  }
0x8d: {  	s2 =	sadd.s32 s2, s17  }
0x8e: {  	[smem:$0x3FC1] =	sst s2  }
0x8f: {  	_ = 	snop  }
0x90: {  	s2 =	sld [smem:$0x3FD0];
	(tm) =	ssettm $0x1  }
0x91: {  	s18 =	sld [smem:$0x3FFB];
	_ =	sdelay $0x3  }
0x92: {  	_ =	strace s18  }
0x93: {  	s3 =	sld [smem:$0x3FFC];
	_ =	sdelay $0x3  }
0x94: {  	_ =	strace s3  }
0x95: {  	s3 =	sld [smem:$0x3FFD];
	_ =	sdelay $0x3  }
0x96: {  	_ =	strace s3  }
0x97: {  	_ =	strace $0x8FFFFFFF  }
0x98: {  	s19 =	sld [smem:$0x3FDB];
	_ =	sdelay $0x1  }
0x99: {  	s4 =	simm.s32 $_scs_section_size  }
0x9a: {  	s5 =	simm.s32 $_size__tile_overlayer_lowered;
	s6 =	simm.s32 $_tile_overlayer_lowered  }
0x9b: {  	s22 =	simm.s32 $0x1BFF;
	s21 =	sshll.u32 s6, $0x1;
	s3 =	sadd.s32 s4, s19  }
0x9c: {  	s7 =	simm.s32 $0x0;
	s20 =	sshll.u32 s5, $0x1;
	s5 =	sadd.s32 s21, s3  }
0x9d: {  	[timem:s7], [sflag:s22] =	dma.local [hbm:s5], s20  }
0x9e: {  	_ =	swait.ge [sflag:s22], s20  }
0x9f: {  	s4 =	ssub.s32 $0x0, s20;
	[sflag:s22] =	ssyncset.done $0x0  }
0xa0: {  	[sflag:s22] =	ssyncadd.s32 s4;
	_ =	sdelay $0x1  }
0xa1: {  	s23 =	simm.s32 $0x1B8B  }
0xa2: {  	_ =	swait.ge [sflag:s23], $0x1  }
0xa3: {  	[sflag:s23] =	ssyncset.done $0x0  }
0xa4: {  	s25 =	simm.s32 $0x1B8E;
	s24 =	sld [smem:$0x3FFE];
	[sflag:s23] =	ssyncadd.s32 $0xFFFFFFFF  }
0xa5: {  	s26 =	simm.s32 $execute0_lowered;
	[smem:$0x3FD2] =	sst s25  }
0xa6: {  	s5 =	sshll.u32 s26, $0x1;
	_ =	strace $0x80000046;
	[dreg:$0x1] =	wrdreg $0xFFFFFFFF  }
0xa7: {  	s28 =	simm.s32 $_size_execute0_lowered;
	s3 =	sadd.s32 s3, s5;
	[dreg:$0x0] =	wrdreg $0x0  }
0xa8: {  	s5 =	sshll.u32 s28, $0x1;
	[dreg:$0x2] =	wrdreg s3  }
0xa9: {  	[dreg:$0x3] =	wrdreg s5  }
0xaa: {  	[dreg:$0x4] =	wrdreg $0xC0  }
0xab: {  	_ =	task [dreg:s7], $0x5FFFF  }
0xac: {  	[dreg:$0x1] =	wrdreg $0xFFFFFFFF  }
0xad: {  	[dreg:$0x0] =	wrdreg $0x60  }
0xae: {  	[dreg:$0x2] =	wrdreg s24  }
0xaf: {  	[dreg:$0x3] =	wrdreg s2  }
0xb0: {  	[dreg:$0x4] =	wrdreg $0x9  }
0xb1: {  	_ =	task.clear_ibuf [dreg:s7], $0x5FFFF;
	_ =	strace $0x90000046  }
0xb2: {  	s29 =	simm.s32 $0x9;
	_ =	strace $0x80000048  }
0xb3: {  	_ =	swait.ge [sflag:s29], $0x1  }
0xb4: {  	[sflag:s29] =	ssyncadd.s32 $0xFFFFFFFF  }
0xb5: {  	_ =	strace $0x90000048  }
0xb6: {  	_ =	sfence  }
0xb7: {  	s30 =	sld [smem:$0x0];
	_ =	sdelay $0x2  }
0xb8: {  	s31 =	sshll.u32 s1, $0xD;
	s1 =	sshrl.u32 s1, $0x2  }
0xb9: {  	s3 =	sand.u32 $0x4000, s31;
	s1 =	sadd.s32 s1, s30  }
0xba: {  	s0 =	sor.u32 s3, s0;
	s1 =	sshll.u32 s1, $0x11  }
0xbb: {  	s0 =	sor.u32 s1, s0  }
0xbc: {  	s0 =	sadd.s32 $0x8F2B, s0  }
0xbd: {  	[sflag:s0] =	ssyncadd.remote.s32 $0x1  }
0xbe: {  	_ =	sfence.sel $0xFFFF  }
0xbf: {  	[dreg:$0x0] =	wrdreg $0xFFFFFFFF;
	(pc) =	sbr.abs _section_cstart, $3  }
0xc0: {  	[dreg:$0x1] =	wrdreg $0xFFFFFFFF  }
0xc1: {  	_ =	task.clear_ibuf [dreg:s7], $0x2FFFF;
	_ =	strace $0x9FFFFFFF  }
0xc2: {  	(tm) =	ssettm $0x7FFFFFFF  }
0xc3: {  	_ =	shalt  }
tec
execute0_lowered:
.L_overlay_start_1:
0x0: {  	(tag) =	ssettag $0x1  }
0x1: {  	s1 =	rddreg [dreg:$0x0]  }
0x2: {  	s0 =	rddreg [dreg:$0x1]  }
0x3: {  	s2 =	simm.s32 $0x0;
	s3 =	srdreg.scid;
	s4 =	stileid.u32  }
0x4: {  	s28 =	simm.s32 $0xA0;
	s29 =	simm.s32 $0xC0;
	s30 =	simm.s32 $0xE0  }
0x5: {  	s31 =	simm.s32 $0x1;
	p0 =	por $0x0, $0x0;
	[smem:$0x7FF] =	sst s2  }
0x6: {  	s3 =	sand.u32 $0x1, s3;
	s4 =	sshll.u32 s4, $0x9;
	s7 =	sadd.s32 $0x1800, s1  }
0x7: {  	s5 =	sadd.s32 $0xF44000, s1;
	s6 =	sshll.u32 s3, $0x8;
	s3 =	ssub.s32 $0x2, s3  }
0x8: {  	_ =	strace $0x80000047;
	s26 =	sor.u32 s6, s4;
	s8 =	sshrl.u32 s3, $0x1  }
0x9: {  	s4 =	sshrl.u32 s26, $0x3;
	s6 =	sor.u32 $0x20, s26;
	s16 =	sor.u32 $0x40, s26  }
0xa: {  	s10 =	sor.u32 $0x60, s26;
	s12 =	sor.u32 $0x80, s26;
	s21 =	sor.u32 $0xA0, s26  }
0xb: {  	s13 =	sor.u32 $0xC0, s26;
	s1 =	sshll.u32 s26, $0x4;
	s3 =	ssub.s32 s3, s8  }
0xc: {  	s8 =	simm.s32 $0x7100;
	s4 =	sadd.s32 s7, s4;
	s9 =	sshrl.u32 s6, $0x3  }
0xd: {  	s17 =	sshrl.u32 s16, $0x3;
	s11 =	sshrl.u32 s10, $0x3;
	s19 =	sshrl.u32 s12, $0x3  }
0xe: {  	s22 =	sshrl.u32 s21, $0x3;
	s14 =	sshrl.u32 s13, $0x3;
	s1 =	sadd.s32 s0, s1  }
0xf: {  	s10 =	sshll.u32 s10, $0x4;
	[dreg:$0x3] =	wrdreg s4;
	s15 =	sadd.s32 s7, s9  }
0x10: {  	s4 =	sadd.s32 s7, s17;
	s18 =	sadd.s32 s7, s11;
	[dreg:$0xb] =	wrdreg s1  }
0x11: {  	s20 =	sadd.s32 s7, s19;
	s23 =	sadd.s32 s7, s14;
	[dreg:$0x4] =	wrdreg s15  }
0x12: {  	s14 =	sadd.s32 s0, s10;
	s19 =	sshll.u32 s13, $0x4;
	[dreg:$0x5] =	wrdreg s4  }
0x13: {  	s10 =	simm.s32 $0x5100;
	s13 =	simm.s32 $0x7;
	[dreg:$0x6] =	wrdreg s18  }
0x14: {  	s11 =	simm.s32 $0x8;
	[dreg:$0x7] =	wrdreg s20;
	s4 =	sadd.s32 s7, s22  }
0x15: {  	s15 =	sor.u32 $0xE0, s26;
	[dreg:$0x9] =	wrdreg s23;
	s26 =	sshll.u32 s6, $0x4  }
0x16: {  	[dreg:$0xe] =	wrdreg s14;
	s18 =	sshll.u32 s21, $0x4;
	s21 =	smax.u32 s3, $0x1  }
0x17: {  	s3 =	simm.s32 $0x9;
	s22 =	simm.s32 $0x100;
	s1 =	rddreg [dreg:$0x3]  }
0x18: {  	s23 =	simm.s32 $0x2;
	s14 =	simm.s32 $0x6;
	[dreg:$0x8] =	wrdreg s4  }
0x19: {  	s24 =	sshrl.u32 s15, $0x3;
	s6 =	sadd.s32 s0, s26;
	s20 =	sshll.u32 s15, $0x4  }
0x1a: {  	s26 =	simm.s32 $0x80;
	s15 =	simm.s32 $0x3100;
	p1 =	sne.s32 s21, $0x1  }
0x1b: {  	s25 =	sadd.s32 s7, s24;
	s7 =	sshll.u32 s16, $0x4;
	[dreg:$0xc] =	wrdreg s6  }
0x1c: {  	s16 =	sshll.u32 s12, $0x4;
	s6 =	sadd.s32 s0, s19;
	s4 =	sadd.s32 s0, s20  }
0x1d: {  	s20 =	simm.s32 $0x20;
	s24 =	simm.s32 $0x40;
	s19 =	simm.s32 $0x1100  }
.Ltmp0:
0x1e: {  	s12 =	simm.s32 $0x4100;
	[dreg:$0xa] =	wrdreg s25;
	(pc) =	sbr.rel @!p1 .LBB2_3-.Ltmp0, $4  }
0x1f: {  	s9 =	sadd.s32 s0, s7;
	s17 =	sadd.s32 s0, s16;
	s7 =	sadd.s32 s0, s18  }
0x20: {  	s25 =	simm.s32 $0x60;
	s0 =	sadd.s32 $0xFFFFFFFF, s21;
	s21 =	simm.s32 $0x3  }
0x21: {  	s18 =	simm.s32 $0x4;
	s16 =	simm.s32 $0x5;
	[dreg:$0xd] =	wrdreg s9  }
0x22: {  	[dreg:$0xf] =	wrdreg s17;
	s17 =	simm.s32 $0x2100;
	s9 =	simm.s32 $0x6100  }
0x23: {  	[tilespmem:s2], [sflag:$0x9] =	stream.linear.gather [hbm4b:s1+s2], $0x20, $0x38;
	[tilespmem:$0x8100] =	vst v63  }
0x24: {  	_ =	swait.ge [sflag:s3], $0x20  }
0x25: {  	[sflag:s3] =	ssyncset.done $0x0  }
0x26: {  	s1 =	rddreg [dreg:$0x4];
	[sflag:s3] =	ssyncadd.s32 $0xFFFFFFE0  }
0x27: {  	[tilespmem:s20], [sflag:$0x9] =	stream.linear.gather [hbm4b:s1+s2], $0x20, $0x38;
	[tilespmem:$0x8100] =	vst v63  }
0x28: {  	_ =	swait.ge [sflag:s3], $0x20  }
0x29: {  	[sflag:s3] =	ssyncset.done $0x0  }
0x2a: {  	s1 =	rddreg [dreg:$0x5];
	[sflag:s3] =	ssyncadd.s32 $0xFFFFFFE0  }
0x2b: {  	[tilespmem:s24], [sflag:$0x9] =	stream.linear.gather [hbm4b:s1+s2], $0x20, $0x38;
	[tilespmem:$0x8100] =	vst v63  }
0x2c: {  	_ =	swait.ge [sflag:s3], $0x20  }
0x2d: {  	[sflag:s3] =	ssyncset.done $0x0  }
0x2e: {  	s1 =	rddreg [dreg:$0x6];
	[sflag:s3] =	ssyncadd.s32 $0xFFFFFFE0  }
0x2f: {  	[tilespmem:s25], [sflag:$0x9] =	stream.linear.gather [hbm4b:s1+s2], $0x20, $0x38;
	[tilespmem:$0x8100] =	vst v63  }
0x30: {  	_ =	swait.ge [sflag:s3], $0x20  }
0x31: {  	[sflag:s3] =	ssyncset.done $0x0  }
0x32: {  	s1 =	rddreg [dreg:$0x7];
	[sflag:s3] =	ssyncadd.s32 $0xFFFFFFE0  }
0x33: {  	[tilespmem:s26], [sflag:$0x9] =	stream.linear.gather [hbm4b:s1+s2], $0x20, $0x38;
	[tilespmem:$0x8100] =	vst v63  }
0x34: {  	_ =	swait.ge [sflag:s3], $0x20  }
0x35: {  	[sflag:s3] =	ssyncset.done $0x0  }
0x36: {  	s1 =	rddreg [dreg:$0x8];
	[sflag:s3] =	ssyncadd.s32 $0xFFFFFFE0  }
0x37: {  	[tilespmem:s28], [sflag:$0x9] =	stream.linear.gather [hbm4b:s1+s2], $0x20, $0x38;
	[tilespmem:$0x8100] =	vst v63  }
0x38: {  	_ =	swait.ge [sflag:s3], $0x20  }
0x39: {  	[sflag:s3] =	ssyncset.done $0x0  }
0x3a: {  	s1 =	rddreg [dreg:$0x9];
	[sflag:s3] =	ssyncadd.s32 $0xFFFFFFE0  }
0x3b: {  	[tilespmem:s29], [sflag:$0x9] =	stream.linear.gather [hbm4b:s1+s2], $0x20, $0x38;
	[tilespmem:$0x8100] =	vst v63  }
0x3c: {  	_ =	swait.ge [sflag:s3], $0x20  }
0x3d: {  	[sflag:s3] =	ssyncset.done $0x0  }
0x3e: {  	s1 =	rddreg [dreg:$0xa];
	[sflag:s3] =	ssyncadd.s32 $0xFFFFFFE0  }
0x3f: {  	[tilespmem:s30], [sflag:$0x9] =	stream.linear.gather [hbm4b:s1+s2], $0x20, $0x38;
	[tilespmem:$0x8100] =	vst v63  }
0x40: {  	_ =	swait.ge [sflag:s3], $0x20  }
0x41: {  	[sflag:s3] =	ssyncset.done $0x0  }
0x42: {  	[sflag:s3] =	ssyncadd.s32 $0xFFFFFFE0  }
0x43: {  	[tilespmem:s22], [sflag:$0x1] =	stream.indirect.gather [hbm4b:s5+s20], $0x80, s2, s20, $0xb8;
	[tilespmem:$0x8100] =	vst v63  }
0x44: {  	_ = 	snop  }
0x45: {  	[tilespmem:s19], [sflag:$0x2] =	stream.indirect.gather [hbm4b:s5+s20], $0x80, s20, s20, $0xb8;
	[tilespmem:$0x8100] =	vst v63  }
0x46: {  	_ = 	snop  }
0x47: {  	[tilespmem:s17], [sflag:$0x3] =	stream.indirect.gather [hbm4b:s5+s20], $0x80, s24, s20, $0xb8;
	[tilespmem:$0x8100] =	vst v63  }
0x48: {  	_ = 	snop  }
0x49: {  	[tilespmem:s15], [sflag:$0x4] =	stream.indirect.gather [hbm4b:s5+s20], $0x80, s25, s20, $0xb8;
	[tilespmem:$0x8100] =	vst v63  }
0x4a: {  	_ = 	snop  }
0x4b: {  	[tilespmem:s12], [sflag:$0x5] =	stream.indirect.gather [hbm4b:s5+s20], $0x80, s26, s20, $0xb8;
	[tilespmem:$0x8100] =	vst v63  }
0x4c: {  	_ = 	snop  }
0x4d: {  	[tilespmem:s10], [sflag:$0x6] =	stream.indirect.gather [hbm4b:s5+s20], $0x80, s28, s20, $0xb8;
	[tilespmem:$0x8100] =	vst v63  }
0x4e: {  	_ = 	snop  }
0x4f: {  	[tilespmem:s9], [sflag:$0x7] =	stream.indirect.gather [hbm4b:s5+s20], $0x80, s29, s20, $0xb8;
	[tilespmem:$0x8100] =	vst v63  }
0x50: {  	_ = 	snop  }
0x51: {  	[tilespmem:s8], [sflag:$0x8] =	stream.indirect.gather [hbm4b:s5+s20], $0x80, s30, s20, $0xb8;
	[tilespmem:$0x8100] =	vst v63  }
0x52: {  	_ =	swait.ge [sflag:s31], $0x1000  }
0x53: {  	[sflag:s31] =	ssyncset.done $0x0  }
0x54: {  	s1 =	rddreg [dreg:$0xb];
	[sflag:s31] =	ssyncadd.s32 $0xFFFFF000  }
0x55: {  	[hbm4b:s1+s2] =	stream.linear.scatter [tilespmem:s22], [sflag:$0x9], $0x1000, $0x38;
	[tilespmem:$0x8100] =	vst v63  }
0x56: {  	_ =	swait.ge [sflag:s3], $0x1000  }
0x57: {  	[sflag:s3] =	ssyncset.done $0x0  }
0x58: {  	[sflag:s3] =	ssyncadd.s32 $0xFFFFF000  }
0x59: {  	_ =	swait.ge [sflag:s23], $0x1000  }
0x5a: {  	[sflag:s23] =	ssyncset.done $0x0  }
0x5b: {  	s1 =	rddreg [dreg:$0xc];
	[sflag:s23] =	ssyncadd.s32 $0xFFFFF000  }
0x5c: {  	[hbm4b:s1+s2] =	stream.linear.scatter [tilespmem:s19], [sflag:$0x9], $0x1000, $0x38;
	[tilespmem:$0x8100] =	vst v63  }
0x5d: {  	_ =	swait.ge [sflag:s3], $0x1000  }
0x5e: {  	[sflag:s3] =	ssyncset.done $0x0  }
0x5f: {  	[sflag:s3] =	ssyncadd.s32 $0xFFFFF000  }
0x60: {  	_ =	swait.ge [sflag:s21], $0x1000  }
0x61: {  	[sflag:s21] =	ssyncset.done $0x0  }
0x62: {  	s1 =	rddreg [dreg:$0xd];
	[sflag:s21] =	ssyncadd.s32 $0xFFFFF000  }
0x63: {  	[hbm4b:s1+s2] =	stream.linear.scatter [tilespmem:s17], [sflag:$0x9], $0x1000, $0x38;
	[tilespmem:$0x8100] =	vst v63  }
0x64: {  	_ =	swait.ge [sflag:s3], $0x1000  }
0x65: {  	[sflag:s3] =	ssyncset.done $0x0  }
0x66: {  	[sflag:s3] =	ssyncadd.s32 $0xFFFFF000  }
0x67: {  	_ =	swait.ge [sflag:s18], $0x1000  }
0x68: {  	[sflag:s18] =	ssyncset.done $0x0  }
0x69: {  	s1 =	rddreg [dreg:$0xe];
	[sflag:s18] =	ssyncadd.s32 $0xFFFFF000  }
0x6a: {  	[hbm4b:s1+s2] =	stream.linear.scatter [tilespmem:s15], [sflag:$0x9], $0x1000, $0x38;
	[tilespmem:$0x8100] =	vst v63  }
0x6b: {  	_ =	swait.ge [sflag:s3], $0x1000  }
0x6c: {  	[sflag:s3] =	ssyncset.done $0x0  }
0x6d: {  	[sflag:s3] =	ssyncadd.s32 $0xFFFFF000  }
0x6e: {  	_ =	swait.ge [sflag:s16], $0x1000  }
0x6f: {  	[sflag:s16] =	ssyncset.done $0x0  }
0x70: {  	s1 =	rddreg [dreg:$0xf];
	[sflag:s16] =	ssyncadd.s32 $0xFFFFF000  }
0x71: {  	[hbm4b:s1+s2] =	stream.linear.scatter [tilespmem:s12], [sflag:$0x9], $0x1000, $0x38;
	[tilespmem:$0x8100] =	vst v63  }
0x72: {  	_ =	swait.ge [sflag:s3], $0x1000  }
0x73: {  	[sflag:s3] =	ssyncset.done $0x0  }
0x74: {  	[sflag:s3] =	ssyncadd.s32 $0xFFFFF000  }
0x75: {  	_ =	swait.ge [sflag:s14], $0x1000  }
0x76: {  	[sflag:s14] =	ssyncset.done $0x0  }
0x77: {  	[sflag:s14] =	ssyncadd.s32 $0xFFFFF000  }
0x78: {  	[hbm4b:s7+s2] =	stream.linear.scatter [tilespmem:s10], [sflag:$0x9], $0x1000, $0x38;
	[tilespmem:$0x8100] =	vst v63  }
0x79: {  	_ =	swait.ge [sflag:s3], $0x1000  }
0x7a: {  	[sflag:s3] =	ssyncset.done $0x0  }
0x7b: {  	[sflag:s3] =	ssyncadd.s32 $0xFFFFF000  }
0x7c: {  	_ =	swait.ge [sflag:s13], $0x1000  }
0x7d: {  	[sflag:s13] =	ssyncset.done $0x0  }
0x7e: {  	[sflag:s13] =	ssyncadd.s32 $0xFFFFF000  }
0x7f: {  	[hbm4b:s6+s2] =	stream.linear.scatter [tilespmem:s9], [sflag:$0x9], $0x1000, $0x38;
	[tilespmem:$0x8100] =	vst v63  }
0x80: {  	_ =	swait.ge [sflag:s3], $0x1000  }
0x81: {  	[sflag:s3] =	ssyncset.done $0x0  }
0x82: {  	[sflag:s3] =	ssyncadd.s32 $0xFFFFF000  }
0x83: {  	p1 =	sne.s32 s0, $0x1;
	_ =	swait.ge [sflag:s11], $0x1000  }
.Ltmp1:
0x84: {  	[sflag:s11] =	ssyncset.done $0x0;
	(pc) =	sbr.rel @!p1 .LBB2_3-.Ltmp1, $4  }
0x85: {  	[sflag:s11] =	ssyncadd.s32 $0xFFFFF000  }
0x86: {  	[hbm4b:s4+s2] =	stream.linear.scatter [tilespmem:s8], [sflag:$0x9], $0x1000, $0x38;
	[tilespmem:$0x8100] =	vst v63  }
0x87: {  	s0 =	sadd.s32 $0xFFFFFFFF, s0;
	_ =	swait.ge [sflag:s3], $0x1000  }
0x88: {  	p0 =	por $0x1, $0x1;
	s1 =	rddreg [dreg:$0x3];
	[sflag:s3] =	ssyncset.done $0x0  }
.LBB2_2:
0x89: {  	[sflag:s3] =	ssyncadd.s32 $0xFFFFF000  }
0x8a: {  	[tilespmem:s2], [sflag:$0x9] =	stream.linear.gather [hbm4b:s1+s2], $0x20, $0x38;
	[tilespmem:$0x8100] =	vst v63  }
0x8b: {  	_ =	swait.ge [sflag:s3], $0x20  }
0x8c: {  	[sflag:s3] =	ssyncset.done $0x0  }
0x8d: {  	s1 =	rddreg [dreg:$0x4];
	[sflag:s3] =	ssyncadd.s32 $0xFFFFFFE0  }
0x8e: {  	[tilespmem:s20], [sflag:$0x9] =	stream.linear.gather [hbm4b:s1+s2], $0x20, $0x38;
	[tilespmem:$0x8100] =	vst v63  }
0x8f: {  	_ =	swait.ge [sflag:s3], $0x20  }
0x90: {  	[sflag:s3] =	ssyncset.done $0x0  }
0x91: {  	s1 =	rddreg [dreg:$0x5];
	[sflag:s3] =	ssyncadd.s32 $0xFFFFFFE0  }
0x92: {  	[tilespmem:s24], [sflag:$0x9] =	stream.linear.gather [hbm4b:s1+s2], $0x20, $0x38;
	[tilespmem:$0x8100] =	vst v63  }
0x93: {  	_ =	swait.ge [sflag:s3], $0x20  }
0x94: {  	[sflag:s3] =	ssyncset.done $0x0  }
0x95: {  	s1 =	rddreg [dreg:$0x6];
	[sflag:s3] =	ssyncadd.s32 $0xFFFFFFE0  }
0x96: {  	[tilespmem:s25], [sflag:$0x9] =	stream.linear.gather [hbm4b:s1+s2], $0x20, $0x38;
	[tilespmem:$0x8100] =	vst v63  }
0x97: {  	_ =	swait.ge [sflag:s3], $0x20  }
0x98: {  	[sflag:s3] =	ssyncset.done $0x0  }
0x99: {  	s1 =	rddreg [dreg:$0x7];
	[sflag:s3] =	ssyncadd.s32 $0xFFFFFFE0  }
0x9a: {  	[tilespmem:s26], [sflag:$0x9] =	stream.linear.gather [hbm4b:s1+s2], $0x20, $0x38;
	[tilespmem:$0x8100] =	vst v63  }
0x9b: {  	_ =	swait.ge [sflag:s3], $0x20  }
0x9c: {  	[sflag:s3] =	ssyncset.done $0x0  }
0x9d: {  	s1 =	rddreg [dreg:$0x8];
	[sflag:s3] =	ssyncadd.s32 $0xFFFFFFE0  }
0x9e: {  	[tilespmem:s28], [sflag:$0x9] =	stream.linear.gather [hbm4b:s1+s2], $0x20, $0x38;
	[tilespmem:$0x8100] =	vst v63  }
0x9f: {  	_ =	swait.ge [sflag:s3], $0x20  }
0xa0: {  	[sflag:s3] =	ssyncset.done $0x0  }
0xa1: {  	s1 =	rddreg [dreg:$0x9];
	[sflag:s3] =	ssyncadd.s32 $0xFFFFFFE0  }
0xa2: {  	[tilespmem:s29], [sflag:$0x9] =	stream.linear.gather [hbm4b:s1+s2], $0x20, $0x38;
	[tilespmem:$0x8100] =	vst v63  }
0xa3: {  	_ =	swait.ge [sflag:s3], $0x20  }
0xa4: {  	[sflag:s3] =	ssyncset.done $0x0  }
0xa5: {  	s1 =	rddreg [dreg:$0xa];
	[sflag:s3] =	ssyncadd.s32 $0xFFFFFFE0  }
0xa6: {  	[tilespmem:s30], [sflag:$0x9] =	stream.linear.gather [hbm4b:s1+s2], $0x20, $0x38;
	[tilespmem:$0x8100] =	vst v63  }
0xa7: {  	_ =	swait.ge [sflag:s3], $0x20  }
0xa8: {  	[sflag:s3] =	ssyncset.done $0x0  }
0xa9: {  	[sflag:s3] =	ssyncadd.s32 $0xFFFFFFE0  }
0xaa: {  	[tilespmem:s22], [sflag:$0x1] =	stream.indirect.gather [hbm4b:s5+s20], $0x80, s2, s20, $0xb8;
	[tilespmem:$0x8100] =	vst v63  }
0xab: {  	_ = 	snop  }
0xac: {  	[tilespmem:s19], [sflag:$0x2] =	stream.indirect.gather [hbm4b:s5+s20], $0x80, s20, s20, $0xb8;
	[tilespmem:$0x8100] =	vst v63  }
0xad: {  	_ = 	snop  }
0xae: {  	[tilespmem:s17], [sflag:$0x3] =	stream.indirect.gather [hbm4b:s5+s20], $0x80, s24, s20, $0xb8;
	[tilespmem:$0x8100] =	vst v63  }
0xaf: {  	_ = 	snop  }
0xb0: {  	[tilespmem:s15], [sflag:$0x4] =	stream.indirect.gather [hbm4b:s5+s20], $0x80, s25, s20, $0xb8;
	[tilespmem:$0x8100] =	vst v63  }
0xb1: {  	_ = 	snop  }
0xb2: {  	[tilespmem:s12], [sflag:$0x5] =	stream.indirect.gather [hbm4b:s5+s20], $0x80, s26, s20, $0xb8;
	[tilespmem:$0x8100] =	vst v63  }
0xb3: {  	_ = 	snop  }
0xb4: {  	[tilespmem:s10], [sflag:$0x6] =	stream.indirect.gather [hbm4b:s5+s20], $0x80, s28, s20, $0xb8;
	[tilespmem:$0x8100] =	vst v63  }
0xb5: {  	_ = 	snop  }
0xb6: {  	[tilespmem:s9], [sflag:$0x7] =	stream.indirect.gather [hbm4b:s5+s20], $0x80, s29, s20, $0xb8;
	[tilespmem:$0x8100] =	vst v63  }
0xb7: {  	_ = 	snop  }
0xb8: {  	[tilespmem:s8], [sflag:$0x8] =	stream.indirect.gather [hbm4b:s5+s20], $0x80, s30, s20, $0xb8;
	[tilespmem:$0x8100] =	vst v63  }
0xb9: {  	_ =	swait.ge [sflag:s31], $0x1000  }
0xba: {  	[sflag:s31] =	ssyncset.done $0x0  }
0xbb: {  	s1 =	rddreg [dreg:$0xb];
	[sflag:s31] =	ssyncadd.s32 $0xFFFFF000  }
0xbc: {  	[hbm4b:s1+s2] =	stream.linear.scatter [tilespmem:s22], [sflag:$0x9], $0x1000, $0x38;
	[tilespmem:$0x8100] =	vst v63  }
0xbd: {  	_ =	swait.ge [sflag:s3], $0x1000  }
0xbe: {  	[sflag:s3] =	ssyncset.done $0x0  }
0xbf: {  	[sflag:s3] =	ssyncadd.s32 $0xFFFFF000  }
0xc0: {  	_ =	swait.ge [sflag:s23], $0x1000  }
0xc1: {  	[sflag:s23] =	ssyncset.done $0x0  }
0xc2: {  	s1 =	rddreg [dreg:$0xc];
	[sflag:s23] =	ssyncadd.s32 $0xFFFFF000  }
0xc3: {  	[hbm4b:s1+s2] =	stream.linear.scatter [tilespmem:s19], [sflag:$0x9], $0x1000, $0x38;
	[tilespmem:$0x8100] =	vst v63  }
0xc4: {  	_ =	swait.ge [sflag:s3], $0x1000  }
0xc5: {  	[sflag:s3] =	ssyncset.done $0x0  }
0xc6: {  	[sflag:s3] =	ssyncadd.s32 $0xFFFFF000  }
0xc7: {  	_ =	swait.ge [sflag:s21], $0x1000  }
0xc8: {  	[sflag:s21] =	ssyncset.done $0x0  }
0xc9: {  	s1 =	rddreg [dreg:$0xd];
	[sflag:s21] =	ssyncadd.s32 $0xFFFFF000  }
0xca: {  	[hbm4b:s1+s2] =	stream.linear.scatter [tilespmem:s17], [sflag:$0x9], $0x1000, $0x38;
	[tilespmem:$0x8100] =	vst v63  }
0xcb: {  	_ =	swait.ge [sflag:s3], $0x1000  }
0xcc: {  	[sflag:s3] =	ssyncset.done $0x0  }
0xcd: {  	[sflag:s3] =	ssyncadd.s32 $0xFFFFF000  }
0xce: {  	_ =	swait.ge [sflag:s18], $0x1000  }
0xcf: {  	[sflag:s18] =	ssyncset.done $0x0  }
0xd0: {  	s1 =	rddreg [dreg:$0xe];
	[sflag:s18] =	ssyncadd.s32 $0xFFFFF000  }
0xd1: {  	[hbm4b:s1+s2] =	stream.linear.scatter [tilespmem:s15], [sflag:$0x9], $0x1000, $0x38;
	[tilespmem:$0x8100] =	vst v63  }
0xd2: {  	_ =	swait.ge [sflag:s3], $0x1000  }
0xd3: {  	[sflag:s3] =	ssyncset.done $0x0  }
0xd4: {  	[sflag:s3] =	ssyncadd.s32 $0xFFFFF000  }
0xd5: {  	_ =	swait.ge [sflag:s16], $0x1000  }
0xd6: {  	[sflag:s16] =	ssyncset.done $0x0  }
0xd7: {  	s1 =	rddreg [dreg:$0xf];
	[sflag:s16] =	ssyncadd.s32 $0xFFFFF000  }
0xd8: {  	[hbm4b:s1+s2] =	stream.linear.scatter [tilespmem:s12], [sflag:$0x9], $0x1000, $0x38;
	[tilespmem:$0x8100] =	vst v63  }
0xd9: {  	_ =	swait.ge [sflag:s3], $0x1000  }
0xda: {  	[sflag:s3] =	ssyncset.done $0x0  }
0xdb: {  	[sflag:s3] =	ssyncadd.s32 $0xFFFFF000  }
0xdc: {  	_ =	swait.ge [sflag:s14], $0x1000  }
0xdd: {  	[sflag:s14] =	ssyncset.done $0x0  }
0xde: {  	[sflag:s14] =	ssyncadd.s32 $0xFFFFF000  }
0xdf: {  	[hbm4b:s7+s2] =	stream.linear.scatter [tilespmem:s10], [sflag:$0x9], $0x1000, $0x38;
	[tilespmem:$0x8100] =	vst v63  }
0xe0: {  	_ =	swait.ge [sflag:s3], $0x1000  }
0xe1: {  	[sflag:s3] =	ssyncset.done $0x0  }
0xe2: {  	[sflag:s3] =	ssyncadd.s32 $0xFFFFF000  }
0xe3: {  	_ =	swait.ge [sflag:s13], $0x1000  }
0xe4: {  	[sflag:s13] =	ssyncset.done $0x0  }
0xe5: {  	[sflag:s13] =	ssyncadd.s32 $0xFFFFF000  }
0xe6: {  	[hbm4b:s6+s2] =	stream.linear.scatter [tilespmem:s9], [sflag:$0x9], $0x1000, $0x38;
	[tilespmem:$0x8100] =	vst v63  }
0xe7: {  	_ =	swait.ge [sflag:s3], $0x1000  }
0xe8: {  	[sflag:s3] =	ssyncset.done $0x0  }
0xe9: {  	[sflag:s3] =	ssyncadd.s32 $0xFFFFF000  }
0xea: {  	p1 =	sne.s32 s0, $0x1;
	_ =	swait.ge [sflag:s11], $0x1000  }
.Ltmp2:
0xeb: {  	[sflag:s11] =	ssyncset.done $0x0;
	(pc) =	sbr.rel @p1 .LBB2_2-.Ltmp2, $4  }
0xec: {  	[sflag:s11] =	ssyncadd.s32 $0xFFFFF000  }
0xed: {  	[hbm4b:s4+s2] =	stream.linear.scatter [tilespmem:s8], [sflag:$0x9], $0x1000, $0x38;
	[tilespmem:$0x8100] =	vst v63  }
0xee: {  	_ =	swait.ge [sflag:s3], $0x1000  }
0xef: {  	s0 =	sadd.s32 $0xFFFFFFFF, s0;
	s1 =	rddreg [dreg:$0x3];
	[sflag:s3] =	ssyncset.done $0x0  }
.LBB2_3:
0xf0: {  	[sflag:s3] =	ssyncadd.s32 @p0 $0xFFFFF000  }
0xf1: {  	[tilespmem:s2], [sflag:$0x9] =	stream.linear.gather [hbm4b:s1+s2], $0x20, $0x38;
	[tilespmem:$0x8100] =	vst v63  }
0xf2: {  	_ =	swait.ge [sflag:s3], $0x20  }
0xf3: {  	[sflag:s3] =	ssyncset.done $0x0  }
0xf4: {  	s0 =	rddreg [dreg:$0x4];
	[sflag:s3] =	ssyncadd.s32 $0xFFFFFFE0  }
0xf5: {  	[tilespmem:s20], [sflag:$0x9] =	stream.linear.gather [hbm4b:s0+s2], $0x20, $0x38;
	[tilespmem:$0x8100] =	vst v63  }
0xf6: {  	_ =	swait.ge [sflag:s3], $0x20  }
0xf7: {  	[sflag:s3] =	ssyncset.done $0x0  }
0xf8: {  	s1 =	rddreg [dreg:$0x5];
	[sflag:s3] =	ssyncadd.s32 $0xFFFFFFE0  }
0xf9: {  	[tilespmem:s24], [sflag:$0x9] =	stream.linear.gather [hbm4b:s1+s2], $0x20, $0x38;
	[tilespmem:$0x8100] =	vst v63  }
0xfa: {  	_ =	swait.ge [sflag:s3], $0x20  }
0xfb: {  	[sflag:s3] =	ssyncset.done $0x0  }
0xfc: {  	s1 =	rddreg [dreg:$0x6];
	[sflag:s3] =	ssyncadd.s32 $0xFFFFFFE0  }
0xfd: {  	[tilespmem:s25], [sflag:$0x9] =	stream.linear.gather [hbm4b:s1+s2], $0x20, $0x38;
	[tilespmem:$0x8100] =	vst v63  }
0xfe: {  	_ =	swait.ge [sflag:s3], $0x20  }
0xff: {  	[sflag:s3] =	ssyncset.done $0x0  }
0x100: {  	s1 =	rddreg [dreg:$0x7];
	[sflag:s3] =	ssyncadd.s32 $0xFFFFFFE0  }
0x101: {  	[tilespmem:s26], [sflag:$0x9] =	stream.linear.gather [hbm4b:s1+s2], $0x20, $0x38;
	[tilespmem:$0x8100] =	vst v63  }
0x102: {  	_ =	swait.ge [sflag:s3], $0x20  }
0x103: {  	[sflag:s3] =	ssyncset.done $0x0  }
0x104: {  	s1 =	rddreg [dreg:$0x8];
	[sflag:s3] =	ssyncadd.s32 $0xFFFFFFE0  }
0x105: {  	[tilespmem:s28], [sflag:$0x9] =	stream.linear.gather [hbm4b:s1+s2], $0x20, $0x38;
	[tilespmem:$0x8100] =	vst v63  }
0x106: {  	_ =	swait.ge [sflag:s3], $0x20  }
0x107: {  	[sflag:s3] =	ssyncset.done $0x0  }
0x108: {  	s1 =	rddreg [dreg:$0x9];
	[sflag:s3] =	ssyncadd.s32 $0xFFFFFFE0  }
0x109: {  	[tilespmem:s29], [sflag:$0x9] =	stream.linear.gather [hbm4b:s1+s2], $0x20, $0x38;
	[tilespmem:$0x8100] =	vst v63  }
0x10a: {  	_ =	swait.ge [sflag:s3], $0x20  }
0x10b: {  	[sflag:s3] =	ssyncset.done $0x0  }
0x10c: {  	s1 =	rddreg [dreg:$0xa];
	[sflag:s3] =	ssyncadd.s32 $0xFFFFFFE0  }
0x10d: {  	[tilespmem:s30], [sflag:$0x9] =	stream.linear.gather [hbm4b:s1+s2], $0x20, $0x38;
	[tilespmem:$0x8100] =	vst v63  }
0x10e: {  	_ =	swait.ge [sflag:s3], $0x20  }
0x10f: {  	[sflag:s3] =	ssyncset.done $0x0  }
0x110: {  	[sflag:s3] =	ssyncadd.s32 $0xFFFFFFE0  }
0x111: {  	[tilespmem:s22], [sflag:$0x1] =	stream.indirect.gather [hbm4b:s5+s20], $0x80, s2, s20, $0xb8;
	[tilespmem:$0x8100] =	vst v63  }
0x112: {  	_ = 	snop  }
0x113: {  	[tilespmem:s19], [sflag:$0x2] =	stream.indirect.gather [hbm4b:s5+s20], $0x80, s20, s20, $0xb8;
	[tilespmem:$0x8100] =	vst v63  }
0x114: {  	_ = 	snop  }
0x115: {  	[tilespmem:s17], [sflag:$0x3] =	stream.indirect.gather [hbm4b:s5+s20], $0x80, s24, s20, $0xb8;
	[tilespmem:$0x8100] =	vst v63  }
0x116: {  	_ = 	snop  }
0x117: {  	[tilespmem:s15], [sflag:$0x4] =	stream.indirect.gather [hbm4b:s5+s20], $0x80, s25, s20, $0xb8;
	[tilespmem:$0x8100] =	vst v63  }
0x118: {  	_ = 	snop  }
0x119: {  	[tilespmem:s12], [sflag:$0x5] =	stream.indirect.gather [hbm4b:s5+s20], $0x80, s26, s20, $0xb8;
	[tilespmem:$0x8100] =	vst v63  }
0x11a: {  	_ = 	snop  }
0x11b: {  	[tilespmem:s10], [sflag:$0x6] =	stream.indirect.gather [hbm4b:s5+s20], $0x80, s28, s20, $0xb8;
	[tilespmem:$0x8100] =	vst v63  }
0x11c: {  	_ = 	snop  }
0x11d: {  	[tilespmem:s9], [sflag:$0x7] =	stream.indirect.gather [hbm4b:s5+s20], $0x80, s29, s20, $0xb8;
	[tilespmem:$0x8100] =	vst v63  }
0x11e: {  	_ = 	snop  }
0x11f: {  	[tilespmem:s8], [sflag:$0x8] =	stream.indirect.gather [hbm4b:s5+s20], $0x80, s30, s20, $0xb8;
	[tilespmem:$0x8100] =	vst v63  }
0x120: {  	_ =	swait.ge [sflag:s31], $0x1000  }
0x121: {  	[sflag:s31] =	ssyncset.done $0x0  }
0x122: {  	s25 =	rddreg [dreg:$0xb];
	[sflag:s31] =	ssyncadd.s32 $0xFFFFF000  }
0x123: {  	[hbm4b:s25+s2] =	stream.linear.scatter [tilespmem:s22], [sflag:$0x9], $0x1000, $0x38;
	[tilespmem:$0x8100] =	vst v63  }
0x124: {  	_ =	swait.ge [sflag:s3], $0x1000  }
0x125: {  	[sflag:s3] =	ssyncset.done $0x0  }
0x126: {  	[sflag:s3] =	ssyncadd.s32 $0xFFFFF000  }
0x127: {  	_ =	swait.ge [sflag:s23], $0x1000  }
0x128: {  	[sflag:s23] =	ssyncset.done $0x0  }
0x129: {  	s26 =	rddreg [dreg:$0xc];
	[sflag:s23] =	ssyncadd.s32 $0xFFFFF000  }
0x12a: {  	[hbm4b:s26+s2] =	stream.linear.scatter [tilespmem:s19], [sflag:$0x9], $0x1000, $0x38;
	[tilespmem:$0x8100] =	vst v63  }
0x12b: {  	_ =	swait.ge [sflag:s3], $0x1000  }
0x12c: {  	[sflag:s3] =	ssyncset.done $0x0  }
0x12d: {  	[sflag:s3] =	ssyncadd.s32 $0xFFFFF000  }
0x12e: {  	_ =	swait.ge [sflag:s21], $0x1000  }
0x12f: {  	[sflag:s21] =	ssyncset.done $0x0  }
0x130: {  	s28 =	rddreg [dreg:$0xd];
	[sflag:s21] =	ssyncadd.s32 $0xFFFFF000  }
0x131: {  	[hbm4b:s28+s2] =	stream.linear.scatter [tilespmem:s17], [sflag:$0x9], $0x1000, $0x38;
	[tilespmem:$0x8100] =	vst v63  }
0x132: {  	_ =	swait.ge [sflag:s3], $0x1000  }
0x133: {  	[sflag:s3] =	ssyncset.done $0x0  }
0x134: {  	[sflag:s3] =	ssyncadd.s32 $0xFFFFF000  }
0x135: {  	_ =	swait.ge [sflag:s18], $0x1000  }
0x136: {  	[sflag:s18] =	ssyncset.done $0x0  }
0x137: {  	s29 =	rddreg [dreg:$0xe];
	[sflag:s18] =	ssyncadd.s32 $0xFFFFF000  }
0x138: {  	[hbm4b:s29+s2] =	stream.linear.scatter [tilespmem:s15], [sflag:$0x9], $0x1000, $0x38;
	[tilespmem:$0x8100] =	vst v63  }
0x139: {  	_ =	swait.ge [sflag:s3], $0x1000  }
0x13a: {  	[sflag:s3] =	ssyncset.done $0x0  }
0x13b: {  	[sflag:s3] =	ssyncadd.s32 $0xFFFFF000  }
0x13c: {  	_ =	swait.ge [sflag:s16], $0x1000  }
0x13d: {  	[sflag:s16] =	ssyncset.done $0x0  }
0x13e: {  	s30 =	rddreg [dreg:$0xf];
	[sflag:s16] =	ssyncadd.s32 $0xFFFFF000  }
0x13f: {  	[hbm4b:s30+s2] =	stream.linear.scatter [tilespmem:s12], [sflag:$0x9], $0x1000, $0x38;
	[tilespmem:$0x8100] =	vst v63  }
0x140: {  	_ =	swait.ge [sflag:s3], $0x1000  }
0x141: {  	[sflag:s3] =	ssyncset.done $0x0  }
0x142: {  	[sflag:s3] =	ssyncadd.s32 $0xFFFFF000  }
0x143: {  	_ =	swait.ge [sflag:s14], $0x1000  }
0x144: {  	[sflag:s14] =	ssyncset.done $0x0  }
0x145: {  	[sflag:s14] =	ssyncadd.s32 $0xFFFFF000  }
0x146: {  	[hbm4b:s7+s2] =	stream.linear.scatter [tilespmem:s10], [sflag:$0x9], $0x1000, $0x38;
	[tilespmem:$0x8100] =	vst v63  }
0x147: {  	_ =	swait.ge [sflag:s3], $0x1000  }
0x148: {  	[sflag:s3] =	ssyncset.done $0x0  }
0x149: {  	[sflag:s3] =	ssyncadd.s32 $0xFFFFF000  }
0x14a: {  	_ =	swait.ge [sflag:s13], $0x1000  }
0x14b: {  	[sflag:s13] =	ssyncset.done $0x0  }
0x14c: {  	[sflag:s13] =	ssyncadd.s32 $0xFFFFF000  }
0x14d: {  	[hbm4b:s6+s2] =	stream.linear.scatter [tilespmem:s9], [sflag:$0x9], $0x1000, $0x38;
	[tilespmem:$0x8100] =	vst v63  }
0x14e: {  	_ =	swait.ge [sflag:s3], $0x1000  }
0x14f: {  	[sflag:s3] =	ssyncset.done $0x0  }
0x150: {  	[sflag:s3] =	ssyncadd.s32 $0xFFFFF000  }
0x151: {  	_ =	swait.ge [sflag:s11], $0x1000  }
0x152: {  	[sflag:s11] =	ssyncset.done $0x0  }
0x153: {  	[sflag:s11] =	ssyncadd.s32 $0xFFFFF000  }
0x154: {  	[hbm4b:s4+s2] =	stream.linear.scatter [tilespmem:s8], [sflag:$0x9], $0x1000, $0x38;
	[tilespmem:$0x8100] =	vst v63  }
0x155: {  	_ =	swait.ge [sflag:s3], $0x1000  }
0x156: {  	[sflag:s3] =	ssyncset.done $0x0  }
0x157: {  	[sflag:s3] =	ssyncadd.s32 $0xFFFFF000  }
0x158: {  	_ =	sfence.sel $0x180000  }
0x159: {  	[bflag:$0x0] =	sbarrier.arrive $0xFFFF  }
0x15a: {  	_ =	strace $0x90000047  }
0x15b: {  	s31 =	stileid.u32;
	[bflag:$0x2] =	sbarrier.arrive $0xFFFF  }
0x15c: {  	p0 =	sne.s32 s31, $0x0;
	s0 =	rddreg [dreg:$0x2]  }
0x15d: {  	s0 =	sadd.s32 @!p0 $0x100000, s0  }
0x15e: {  	[sflag:s0] =	ssyncadd.tile.s32 @!p0 $0x1;
	_ =	shalt  }
.Lfunc_end2:
_tile_overlayer_lowered:
.L_overlay_start_2:
0x15f: {  	(tag) =	ssettag $0x2  }
0x160: {  	s0 =	rddreg [dreg:$0x0];
	s2 =	stileid.u32  }
0x161: {  	s1 =	rddreg [dreg:$0x1];
	p0 =	sne.s32 s2, $0x0  }
0x162: {  	s3 =	rddreg [dreg:$0x2];
	[bflag:$0x3] =	sbarrier.arrive $0xFFFF;
	s2 =	simm.s32 @!p0 $0x1C09  }
0x163: {  	[timem:s3], [sflag:s2] =	dma.local @!p0 [hbm:s0], s1  }
0x164: {  	s0 =	simm.s32 @!p0 $0x9  }
0x165: {  	_ =	swait.ge @!p0 [sflag:s0], s1  }
0x166: {  	s1 =	ssub.s32 @!p0 $0x0, s1;
	[sflag:s0] =	ssyncset.done @!p0 $0x0  }
0x167: {  	[sflag:s0] =	ssyncadd.s32 @!p0 s1  }
0x168: {  	[bflag:$0x3] =	sbarrier.arrive $0xFFFF  }
0x169: {  	_ =	shalt  }

</sc_bundles>
